<compile_context>
chip_gen: v7x
topology: tpu7x:2x2x1
jax: 0.10.2.dev20260603
libtpu: 0.0.44.dev20260713+nightly
codegen_flags: <defaults>
</compile_context>

<pallas_src>
import functools

import jax
import jax.numpy as jnp
from jax import lax
from jax.experimental import pallas as pl
from jax.experimental.pallas import tpu as pltpu
from jax.experimental.pallas import tpu_sc as plsc

B = 16384
D = 64

NUM_CORES = 2
NUM_SUBCORES = 16
NW = NUM_CORES * NUM_SUBCORES
B_PER_W = B // NW
ROUND = 64
N_ROUNDS = B_PER_W // ROUND

_mesh = plsc.VectorSubcoreMesh(core_axis_name="c", subcore_axis_name="s")


@functools.partial(
    pl.kernel,
    mesh=_mesh,
    out_type=jax.ShapeDtypeStruct((B * 8, D), jnp.float32),
    scratch_types=[
        pltpu.VMEM((B_PER_W,), jnp.int32),
        pltpu.VMEM((ROUND * 8, D), jnp.float32),
        pltpu.SemaphoreType.DMA,
    ],
)
def _gather_kernel(idx_hbm, codes_hbm, grp_hbm, idx_v, grp, sem):
    wid = lax.axis_index("s") * NUM_CORES + lax.axis_index("c")
    base = wid * B_PER_W
    pltpu.sync_copy(idx_hbm.at[pl.ds(base, B_PER_W)], idx_v)

    def round_(t, _):
        def issue(c, _):
            vec = idx_v[pl.ds(t * ROUND + c * 16, 16)]
            gvec = jnp.left_shift(jnp.right_shift(vec, 3), 3)
            for j in range(16):
                g = pl.multiple_of(gvec[j], 8)
                pltpu.make_async_copy(
                    codes_hbm.at[pl.ds(g, 8), :],
                    grp.at[pl.ds((c * 16 + j) * 8, 8), :],
                    sem,
                ).start()
            return 0

        lax.fori_loop(0, ROUND // 16, issue, 0)
        pltpu.make_async_copy(
            codes_hbm.at[pl.ds(0, ROUND * 8), :], grp, sem
        ).wait()
        pltpu.sync_copy(
            grp, grp_hbm.at[pl.ds((base + t * ROUND) * 8, ROUND * 8)]
        )
        return 0

    lax.fori_loop(0, N_ROUNDS, round_, 0)


def kernel(idx, codes):
    idx_flat = idx.reshape(B).astype(jnp.int32)
    groups = _gather_kernel(idx_flat, codes)
    g = groups.reshape(B, 8, D)
    sub = (idx_flat & 7).astype(jnp.int32)
    out = jnp.take_along_axis(g, sub[:, None, None], axis=1)[:, 0, :]
    anchor = jnp.take(codes, idx_flat, axis=0)
    return out + 0.0 * anchor

# --- scband reference (transcript-rebuilt; emitter-appended) ---
"""Pipeline reference for scband-optcodes-50457275793726 (READ-ONLY COPY).

The authoritative reference and input builder live on the scoring server;
editing this copy changes nothing except your own understanding.
"""

import jax, jax.numpy as jnp
import numpy as np

N_CODES = 1000000
CODE_CH = 64
BATCH = 16384


def setup_inputs(seed: int = 0) -> dict:
    key = jax.random.key(seed)
    k_idx, k_w = jax.random.split(key)
    idx = jax.random.randint(k_idx, (BATCH, 1), 0, N_CODES, dtype=jnp.int64 if jax.config.jax_enable_x64 else jnp.int32)
    # xavier_normal_ for embedding weight [n_codes, code_ch]: std = sqrt(2/(fan_in+fan_out))
    std = float(np.sqrt(2.0 / (N_CODES + CODE_CH)))
    codes = jax.random.normal(k_w, (N_CODES, CODE_CH), dtype=jnp.float32) * std
    return {"idx": idx, "codes": codes}


def reference(idx, codes):
    # idx_map is None; training-mode path with last dim == 1:
    # clamp (no-op for in-range indices, mirrors torch clamp branch) then embedding lookup
    idx_c = jnp.clip(idx, 0, N_CODES - 1)
    # nn.Embedding on [B, 1] -> [B, 1, code_ch]; .squeeze(1) -> [B, code_ch]
    out = jnp.take(codes, idx_c, axis=0)
    out = jnp.squeeze(out, axis=1)
    return out

if __name__ == "__main__":
    import jax
    _d = setup_inputs()
    print(jax.jit(kernel)(*tuple(_d.values())))

</pallas_src>

<mosaic_0001>
#map = affine_map<(d0, d1) -> (0)>
#map1 = affine_map<(d0, d1) -> (0, 0)>
module attributes {stable_mosaic.version = 14 : i64} {
  func.func @_gather_kernel(%arg0: i32, %arg1: i32, %arg2: memref<16384xi32, #tpu.memory_space<hbm>>, %arg3: memref<1000000x64xf32, #tpu.memory_space<hbm>>, %arg4: memref<131072x64xf32, #tpu.memory_space<hbm>>, %arg5: memref<512xi32, #tpu.memory_space<vmem>>, %arg6: memref<512x64xf32, #tpu.memory_space<vmem>>, %arg7: memref<!tpu.dma_semaphore, #tpu.memory_space<semaphore_mem>>) attributes {dimension_semantics = [#tpu.dimension_semantics<core_parallel>, #tpu.dimension_semantics<subcore_parallel>], iteration_bounds = array<i64: 2, 16>, scalar_prefetch = 0 : i64, scratch_operands = 3 : i64, tpu.core_type = #tpu.core_type<sc_vector_subcore>, window_params = [{transform_indices = #map}, {transform_indices = #map1}, {transform_indices = #map1}]} {
    %mul3A = arith.constant 2 : i32
    %mul3A_0 = arith.muli %arg1, %mul3A : i32
    %add3A = arith.addi %mul3A_0, %arg0 : i32
    %mul3A_1 = arith.constant 512 : i32
    %mul3A_2 = arith.muli %add3A, %mul3A_1 : i32
    "tpu.region"() ({
      %run_scoped3A = tpu.sem_alloc : memref<!tpu.dma_semaphore, #tpu.memory_space<semaphore_mem>>
      %dma_start3A = tpu.memref_slice %arg2[%mul3A_2] : memref<16384xi32, #tpu.memory_space<hbm>> -> memref<512xi32, #tpu.memory_space<hbm>>
      %dma_start3A_9 = tpu.memref_slice %arg2[%mul3A_2] : memref<16384xi32, #tpu.memory_space<hbm>> -> memref<512xi32, #tpu.memory_space<hbm>>
      tpu.enqueue_dma source(%dma_start3A_9 : memref<512xi32, #tpu.memory_space<hbm>>) target(%arg5 : memref<512xi32, #tpu.memory_space<vmem>>) target_semaphore(%run_scoped3A : memref<!tpu.dma_semaphore, #tpu.memory_space<semaphore_mem>>)
      %dma_wait3A = tpu.memref_slice %arg2[%mul3A_2] : memref<16384xi32, #tpu.memory_space<hbm>> -> memref<512xi32, #tpu.memory_space<hbm>>
      %dma_wait3A_10 = tpu.memref_slice %arg2[%mul3A_2] : memref<16384xi32, #tpu.memory_space<hbm>> -> memref<512xi32, #tpu.memory_space<hbm>>
      tpu.wait_dma2 semaphore(%run_scoped3A : memref<!tpu.dma_semaphore, #tpu.memory_space<semaphore_mem>>) src(%dma_wait3A_10 : memref<512xi32, #tpu.memory_space<hbm>>) dst(%arg5 : memref<512xi32, #tpu.memory_space<vmem>>)
      tpu.yield
    }) : () -> ()
    %scan3A = arith.constant 0 : i32
    %scan3A_3 = arith.constant 0 : i32
    %scan3A_4 = arith.constant 8 : i32
    %scan3A_5 = arith.addi %scan3A_3, %scan3A_4 : i32
    %scan3A_6 = arith.constant 1 : i32
    %scan3A_7 = scf.for %scan3A_9 = %scan3A_3 to %scan3A_5 step %scan3A_6 iter_args(%scan3A_10 = %scan3A) -> (i32)  : i32 {
      %scan3A_11 = arith.constant 0 : i32
      %scan3A_12 = arith.constant 0 : i32
      %scan3A_13 = arith.constant 4 : i32
      %scan3A_14 = arith.addi %scan3A_12, %scan3A_13 : i32
      %scan3A_15 = arith.constant 1 : i32
      %scan3A_16 = scf.for %scan3A_29 = %scan3A_12 to %scan3A_14 step %scan3A_15 iter_args(%scan3A_30 = %scan3A_11) -> (i32)  : i32 {
        %mul3A_31 = arith.constant 64 : i32
        %mul3A_32 = arith.muli %scan3A_9, %mul3A_31 : i32
        %mul3A_33 = arith.constant 16 : i32
        %mul3A_34 = arith.muli %scan3A_29, %mul3A_33 : i32
        %add3A_35 = arith.addi %mul3A_32, %mul3A_34 : i32
        %get3A = arith.index_cast %add3A_35 : i32 to index
        %get3A_36 = tpu.vector_load %arg5[%get3A] {strides = array<i32>} : memref<512xi32, #tpu.memory_space<vmem>>, vector<16xi32>,
        %get3A_37 = vector.shape_cast %get3A_36 : vector<16xi32> to vector<16xi32>
        %shift_right_arithmetic3A = arith.constant 3 : i32
        %shift_right_arithmetic3A_38 = vector.broadcast %shift_right_arithmetic3A : i32 to vector<16xi32>
        %shift_right_arithmetic3A_39 = arith.shrsi %get3A_37, %shift_right_arithmetic3A_38 : vector<16xi32>
        %shift_left3A = arith.constant 3 : i32
        %shift_left3A_40 = vector.broadcast %shift_left3A : i32 to vector<16xi32>
        %shift_left3A_41 = arith.shli %shift_right_arithmetic3A_39, %shift_left3A_40 : vector<16xi32>
        %slice3A = vector.extract_strided_slice %shift_left3A_41 {offsets = [0], sizes = [1], strides = [1]} : vector<16xi32> to vector<1xi32>
        %squeeze3A = vector.extract %slice3A[0] : i32 from vector<1xi32>
        %multiple_of3A = tpu.assume_multiple %squeeze3A, 8 : i32
        %mul3A_42 = arith.constant 16 : i32
        %mul3A_43 = arith.muli %scan3A_29, %mul3A_42 : i32
        %add3A_44 = arith.constant 0 : i32
        %add3A_45 = arith.addi %mul3A_43, %add3A_44 : i32
        %mul3A_46 = arith.constant 8 : i32
        %mul3A_47 = arith.muli %add3A_45, %mul3A_46 : i32
        %dma_start3A = arith.constant 0 : i32
        %dma_start3A_48 = tpu.memref_slice %arg6[%mul3A_47, %dma_start3A] : memref<512x64xf32, #tpu.memory_space<vmem>> -> memref<8x64xf32, #tpu.memory_space<vmem>>
        %dma_start3A_49 = arith.constant 0 : i32
        %dma_start3A_50 = tpu.memref_slice %arg3[%multiple_of3A, %dma_start3A_49] : memref<1000000x64xf32, #tpu.memory_space<hbm>> -> memref<8x64xf32, #tpu.memory_space<hbm>>
        %dma_start3A_51 = arith.constant 0 : i32
        %dma_start3A_52 = tpu.memref_slice %arg6[%mul3A_47, %dma_start3A_51] : memref<512x64xf32, #tpu.memory_space<vmem>> -> memref<8x64xf32, #tpu.memory_space<vmem>>
        %dma_start3A_53 = arith.constant 0 : i32
        %dma_start3A_54 = tpu.memref_slice %arg3[%multiple_of3A, %dma_start3A_53] : memref<1000000x64xf32, #tpu.memory_space<hbm>> -> memref<8x64xf32, #tpu.memory_space<hbm>>
        tpu.enqueue_dma source(%dma_start3A_54 : memref<8x64xf32, #tpu.memory_space<hbm>>) target(%dma_start3A_52 : memref<8x64xf32, #tpu.memory_space<vmem>>) target_semaphore(%arg7 : memref<!tpu.dma_semaphore, #tpu.memory_space<semaphore_mem>>)
        %slice3A_55 = vector.extract_strided_slice %shift_left3A_41 {offsets = [1], sizes = [1], strides = [1]} : vector<16xi32> to vector<1xi32>
        %squeeze3A_56 = vector.extract %slice3A_55[0] : i32 from vector<1xi32>
        %multiple_of3A_57 = tpu.assume_multiple %squeeze3A_56, 8 : i32
        %mul3A_58 = arith.constant 16 : i32
        %mul3A_59 = arith.muli %scan3A_29, %mul3A_58 : i32
        %add3A_60 = arith.constant 1 : i32
        %add3A_61 = arith.addi %mul3A_59, %add3A_60 : i32
        %mul3A_62 = arith.constant 8 : i32
        %mul3A_63 = arith.muli %add3A_61, %mul3A_62 : i32
        %dma_start3A_64 = arith.constant 0 : i32
        %dma_start3A_65 = tpu.memref_slice %arg6[%mul3A_63, %dma_start3A_64] : memref<512x64xf32, #tpu.memory_space<vmem>> -> memref<8x64xf32, #tpu.memory_space<vmem>>
        %dma_start3A_66 = arith.constant 0 : i32
        %dma_start3A_67 = tpu.memref_slice %arg3[%multiple_of3A_57, %dma_start3A_66] : memref<1000000x64xf32, #tpu.memory_space<hbm>> -> memref<8x64xf32, #tpu.memory_space<hbm>>
        %dma_start3A_68 = arith.constant 0 : i32
        %dma_start3A_69 = tpu.memref_slice %arg6[%mul3A_63, %dma_start3A_68] : memref<512x64xf32, #tpu.memory_space<vmem>> -> memref<8x64xf32, #tpu.memory_space<vmem>>
        %dma_start3A_70 = arith.constant 0 : i32
        %dma_start3A_71 = tpu.memref_slice %arg3[%multiple_of3A_57, %dma_start3A_70] : memref<1000000x64xf32, #tpu.memory_space<hbm>> -> memref<8x64xf32, #tpu.memory_space<hbm>>
        tpu.enqueue_dma source(%dma_start3A_71 : memref<8x64xf32, #tpu.memory_space<hbm>>) target(%dma_start3A_69 : memref<8x64xf32, #tpu.memory_space<vmem>>) target_semaphore(%arg7 : memref<!tpu.dma_semaphore, #tpu.memory_space<semaphore_mem>>)
        %slice3A_72 = vector.extract_strided_slice %shift_left3A_41 {offsets = [2], sizes = [1], strides = [1]} : vector<16xi32> to vector<1xi32>
        %squeeze3A_73 = vector.extract %slice3A_72[0] : i32 from vector<1xi32>
        %multiple_of3A_74 = tpu.assume_multiple %squeeze3A_73, 8 : i32
        %mul3A_75 = arith.constant 16 : i32
        %mul3A_76 = arith.muli %scan3A_29, %mul3A_75 : i32
        %add3A_77 = arith.constant 2 : i32
        %add3A_78 = arith.addi %mul3A_76, %add3A_77 : i32
        %mul3A_79 = arith.constant 8 : i32
        %mul3A_80 = arith.muli %add3A_78, %mul3A_79 : i32
        %dma_start3A_81 = arith.constant 0 : i32
        %dma_start3A_82 = tpu.memref_slice %arg6[%mul3A_80, %dma_start3A_81] : memref<512x64xf32, #tpu.memory_space<vmem>> -> memref<8x64xf32, #tpu.memory_space<vmem>>
        %dma_start3A_83 = arith.constant 0 : i32
        %dma_start3A_84 = tpu.memref_slice %arg3[%multiple_of3A_74, %dma_start3A_83] : memref<1000000x64xf32, #tpu.memory_space<hbm>> -> memref<8x64xf32, #tpu.memory_space<hbm>>
        %dma_start3A_85 = arith.constant 0 : i32
        %dma_start3A_86 = tpu.memref_slice %arg6[%mul3A_80, %dma_start3A_85] : memref<512x64xf32, #tpu.memory_space<vmem>> -> memref<8x64xf32, #tpu.memory_space<vmem>>
        %dma_start3A_87 = arith.constant 0 : i32
        %dma_start3A_88 = tpu.memref_slice %arg3[%multiple_of3A_74, %dma_start3A_87] : memref<1000000x64xf32, #tpu.memory_space<hbm>> -> memref<8x64xf32, #tpu.memory_space<hbm>>
        tpu.enqueue_dma source(%dma_start3A_88 : memref<8x64xf32, #tpu.memory_space<hbm>>) target(%dma_start3A_86 : memref<8x64xf32, #tpu.memory_space<vmem>>) target_semaphore(%arg7 : memref<!tpu.dma_semaphore, #tpu.memory_space<semaphore_mem>>)
        %slice3A_89 = vector.extract_strided_slice %shift_left3A_41 {offsets = [3], sizes = [1], strides = [1]} : vector<16xi32> to vector<1xi32>
        %squeeze3A_90 = vector.extract %slice3A_89[0] : i32 from vector<1xi32>
        %multiple_of3A_91 = tpu.assume_multiple %squeeze3A_90, 8 : i32
        %mul3A_92 = arith.constant 16 : i32
        %mul3A_93 = arith.muli %scan3A_29, %mul3A_92 : i32
        %add3A_94 = arith.constant 3 : i32
        %add3A_95 = arith.addi %mul3A_93, %add3A_94 : i32
        %mul3A_96 = arith.constant 8 : i32
        %mul3A_97 = arith.muli %add3A_95, %mul3A_96 : i32
        %dma_start3A_98 = arith.constant 0 : i32
        %dma_start3A_99 = tpu.memref_slice %arg6[%mul3A_97, %dma_start3A_98] : memref<512x64xf32, #tpu.memory_space<vmem>> -> memref<8x64xf32, #tpu.memory_space<vmem>>
        %dma_start3A_100 = arith.constant 0 : i32
        %dma_start3A_101 = tpu.memref_slice %arg3[%multiple_of3A_91, %dma_start3A_100] : memref<1000000x64xf32, #tpu.memory_space<hbm>> -> memref<8x64xf32, #tpu.memory_space<hbm>>
        %dma_start3A_102 = arith.constant 0 : i32
        %dma_start3A_103 = tpu.memref_slice %arg6[%mul3A_97, %dma_start3A_102] : memref<512x64xf32, #tpu.memory_space<vmem>> -> memref<8x64xf32, #tpu.memory_space<vmem>>
        %dma_start3A_104 = arith.constant 0 : i32
        %dma_start3A_105 = tpu.memref_slice %arg3[%multiple_of3A_91, %dma_start3A_104] : memref<1000000x64xf32, #tpu.memory_space<hbm>> -> memref<8x64xf32, #tpu.memory_space<hbm>>
        tpu.enqueue_dma source(%dma_start3A_105 : memref<8x64xf32, #tpu.memory_space<hbm>>) target(%dma_start3A_103 : memref<8x64xf32, #tpu.memory_space<vmem>>) target_semaphore(%arg7 : memref<!tpu.dma_semaphore, #tpu.memory_space<semaphore_mem>>)
        %slice3A_106 = vector.extract_strided_slice %shift_left3A_41 {offsets = [4], sizes = [1], strides = [1]} : vector<16xi32> to vector<1xi32>
        %squeeze3A_107 = vector.extract %slice3A_106[0] : i32 from vector<1xi32>
        %multiple_of3A_108 = tpu.assume_multiple %squeeze3A_107, 8 : i32
        %mul3A_109 = arith.constant 16 : i32
        %mul3A_110 = arith.muli %scan3A_29, %mul3A_109 : i32
        %add3A_111 = arith.constant 4 : i32
        %add3A_112 = arith.addi %mul3A_110, %add3A_111 : i32
        %mul3A_113 = arith.constant 8 : i32
        %mul3A_114 = arith.muli %add3A_112, %mul3A_113 : i32
        %dma_start3A_115 = arith.constant 0 : i32
        %dma_start3A_116 = tpu.memref_slice %arg6[%mul3A_114, %dma_start3A_115] : memref<512x64xf32, #tpu.memory_space<vmem>> -> memref<8x64xf32, #tpu.memory_space<vmem>>
        %dma_start3A_117 = arith.constant 0 : i32
        %dma_start3A_118 = tpu.memref_slice %arg3[%multiple_of3A_108, %dma_start3A_117] : memref<1000000x64xf32, #tpu.memory_space<hbm>> -> memref<8x64xf32, #tpu.memory_space<hbm>>
        %dma_start3A_119 = arith.constant 0 : i32
        %dma_start3A_120 = tpu.memref_slice %arg6[%mul3A_114, %dma_start3A_119] : memref<512x64xf32, #tpu.memory_space<vmem>> -> memref<8x64xf32, #tpu.memory_space<vmem>>
        %dma_start3A_121 = arith.constant 0 : i32
        %dma_start3A_122 = tpu.memref_slice %arg3[%multiple_of3A_108, %dma_start3A_121] : memref<1000000x64xf32, #tpu.memory_space<hbm>> -> memref<8x64xf32, #tpu.memory_space<hbm>>
        tpu.enqueue_dma source(%dma_start3A_122 : memref<8x64xf32, #tpu.memory_space<hbm>>) target(%dma_start3A_120 : memref<8x64xf32, #tpu.memory_space<vmem>>) target_semaphore(%arg7 : memref<!tpu.dma_semaphore, #tpu.memory_space<semaphore_mem>>)
        %slice3A_123 = vector.extract_strided_slice %shift_left3A_41 {offsets = [5], sizes = [1], strides = [1]} : vector<16xi32> to vector<1xi32>
        %squeeze3A_124 = vector.extract %slice3A_123[0] : i32 from vector<1xi32>
        %multiple_of3A_125 = tpu.assume_multiple %squeeze3A_124, 8 : i32
        %mul3A_126 = arith.constant 16 : i32
        %mul3A_127 = arith.muli %scan3A_29, %mul3A_126 : i32
        %add3A_128 = arith.constant 5 : i32
        %add3A_129 = arith.addi %mul3A_127, %add3A_128 : i32
        %mul3A_130 = arith.constant 8 : i32
        %mul3A_131 = arith.muli %add3A_129, %mul3A_130 : i32
        %dma_start3A_132 = arith.constant 0 : i32
        %dma_start3A_133 = tpu.memref_slice %arg6[%mul3A_131, %dma_start3A_132] : memref<512x64xf32, #tpu.memory_space<vmem>> -> memref<8x64xf32, #tpu.memory_space<vmem>>
        %dma_start3A_134 = arith.constant 0 : i32
        %dma_start3A_135 = tpu.memref_slice %arg3[%multiple_of3A_125, %dma_start3A_134] : memref<1000000x64xf32, #tpu.memory_space<hbm>> -> memref<8x64xf32, #tpu.memory_space<hbm>>
        %dma_start3A_136 = arith.constant 0 : i32
        %dma_start3A_137 = tpu.memref_slice %arg6[%mul3A_131, %dma_start3A_136] : memref<512x64xf32, #tpu.memory_space<vmem>> -> memref<8x64xf32, #tpu.memory_space<vmem>>
        %dma_start3A_138 = arith.constant 0 : i32
        %dma_start3A_139 = tpu.memref_slice %arg3[%multiple_of3A_125, %dma_start3A_138] : memref<1000000x64xf32, #tpu.memory_space<hbm>> -> memref<8x64xf32, #tpu.memory_space<hbm>>
        tpu.enqueue_dma source(%dma_start3A_139 : memref<8x64xf32, #tpu.memory_space<hbm>>) target(%dma_start3A_137 : memref<8x64xf32, #tpu.memory_space<vmem>>) target_semaphore(%arg7 : memref<!tpu.dma_semaphore, #tpu.memory_space<semaphore_mem>>)
        %slice3A_140 = vector.extract_strided_slice %shift_left3A_41 {offsets = [6], sizes = [1], strides = [1]} : vector<16xi32> to vector<1xi32>
        %squeeze3A_141 = vector.extract %slice3A_140[0] : i32 from vector<1xi32>
        %multiple_of3A_142 = tpu.assume_multiple %squeeze3A_141, 8 : i32
        %mul3A_143 = arith.constant 16 : i32
        %mul3A_144 = arith.muli %scan3A_29, %mul3A_143 : i32
        %add3A_145 = arith.constant 6 : i32
        %add3A_146 = arith.addi %mul3A_144, %add3A_145 : i32
        %mul3A_147 = arith.constant 8 : i32
        %mul3A_148 = arith.muli %add3A_146, %mul3A_147 : i32
        %dma_start3A_149 = arith.constant 0 : i32
        %dma_start3A_150 = tpu.memref_slice %arg6[%mul3A_148, %dma_start3A_149] : memref<512x64xf32, #tpu.memory_space<vmem>> -> memref<8x64xf32, #tpu.memory_space<vmem>>
        %dma_start3A_151 = arith.constant 0 : i32
        %dma_start3A_152 = tpu.memref_slice %arg3[%multiple_of3A_142, %dma_start3A_151] : memref<1000000x64xf32, #tpu.memory_space<hbm>> -> memref<8x64xf32, #tpu.memory_space<hbm>>
        %dma_start3A_153 = arith.constant 0 : i32
        %dma_start3A_154 = tpu.memref_slice %arg6[%mul3A_148, %dma_start3A_153] : memref<512x64xf32, #tpu.memory_space<vmem>> -> memref<8x64xf32, #tpu.memory_space<vmem>>
        %dma_start3A_155 = arith.constant 0 : i32
        %dma_start3A_156 = tpu.memref_slice %arg3[%multiple_of3A_142, %dma_start3A_155] : memref<1000000x64xf32, #tpu.memory_space<hbm>> -> memref<8x64xf32, #tpu.memory_space<hbm>>
        tpu.enqueue_dma source(%dma_start3A_156 : memref<8x64xf32, #tpu.memory_space<hbm>>) target(%dma_start3A_154 : memref<8x64xf32, #tpu.memory_space<vmem>>) target_semaphore(%arg7 : memref<!tpu.dma_semaphore, #tpu.memory_space<semaphore_mem>>)
        %slice3A_157 = vector.extract_strided_slice %shift_left3A_41 {offsets = [7], sizes = [1], strides = [1]} : vector<16xi32> to vector<1xi32>
        %squeeze3A_158 = vector.extract %slice3A_157[0] : i32 from vector<1xi32>
        %multiple_of3A_159 = tpu.assume_multiple %squeeze3A_158, 8 : i32
        %mul3A_160 = arith.constant 16 : i32
        %mul3A_161 = arith.muli %scan3A_29, %mul3A_160 : i32
        %add3A_162 = arith.constant 7 : i32
        %add3A_163 = arith.addi %mul3A_161, %add3A_162 : i32
        %mul3A_164 = arith.constant 8 : i32
        %mul3A_165 = arith.muli %add3A_163, %mul3A_164 : i32
        %dma_start3A_166 = arith.constant 0 : i32
        %dma_start3A_167 = tpu.memref_slice %arg6[%mul3A_165, %dma_start3A_166] : memref<512x64xf32, #tpu.memory_space<vmem>> -> memref<8x64xf32, #tpu.memory_space<vmem>>
        %dma_start3A_168 = arith.constant 0 : i32
        %dma_start3A_169 = tpu.memref_slice %arg3[%multiple_of3A_159, %dma_start3A_168] : memref<1000000x64xf32, #tpu.memory_space<hbm>> -> memref<8x64xf32, #tpu.memory_space<hbm>>
        %dma_start3A_170 = arith.constant 0 : i32
        %dma_start3A_171 = tpu.memref_slice %arg6[%mul3A_165, %dma_start3A_170] : memref<512x64xf32, #tpu.memory_space<vmem>> -> memref<8x64xf32, #tpu.memory_space<vmem>>
        %dma_start3A_172 = arith.constant 0 : i32
        %dma_start3A_173 = tpu.memref_slice %arg3[%multiple_of3A_159, %dma_start3A_172] : memref<1000000x64xf32, #tpu.memory_space<hbm>> -> memref<8x64xf32, #tpu.memory_space<hbm>>
        tpu.enqueue_dma source(%dma_start3A_173 : memref<8x64xf32, #tpu.memory_space<hbm>>) target(%dma_start3A_171 : memref<8x64xf32, #tpu.memory_space<vmem>>) target_semaphore(%arg7 : memref<!tpu.dma_semaphore, #tpu.memory_space<semaphore_mem>>)
        %slice3A_174 = vector.extract_strided_slice %shift_left3A_41 {offsets = [8], sizes = [1], strides = [1]} : vector<16xi32> to vector<1xi32>
        %squeeze3A_175 = vector.extract %slice3A_174[0] : i32 from vector<1xi32>
        %multiple_of3A_176 = tpu.assume_multiple %squeeze3A_175, 8 : i32
        %mul3A_177 = arith.constant 16 : i32
        %mul3A_178 = arith.muli %scan3A_29, %mul3A_177 : i32
        %add3A_179 = arith.constant 8 : i32
        %add3A_180 = arith.addi %mul3A_178, %add3A_179 : i32
        %mul3A_181 = arith.constant 8 : i32
        %mul3A_182 = arith.muli %add3A_180, %mul3A_181 : i32
        %dma_start3A_183 = arith.constant 0 : i32
        %dma_start3A_184 = tpu.memref_slice %arg6[%mul3A_182, %dma_start3A_183] : memref<512x64xf32, #tpu.memory_space<vmem>> -> memref<8x64xf32, #tpu.memory_space<vmem>>
        %dma_start3A_185 = arith.constant 0 : i32
        %dma_start3A_186 = tpu.memref_slice %arg3[%multiple_of3A_176, %dma_start3A_185] : memref<1000000x64xf32, #tpu.memory_space<hbm>> -> memref<8x64xf32, #tpu.memory_space<hbm>>
        %dma_start3A_187 = arith.constant 0 : i32
        %dma_start3A_188 = tpu.memref_slice %arg6[%mul3A_182, %dma_start3A_187] : memref<512x64xf32, #tpu.memory_space<vmem>> -> memref<8x64xf32, #tpu.memory_space<vmem>>
        %dma_start3A_189 = arith.constant 0 : i32
        %dma_start3A_190 = tpu.memref_slice %arg3[%multiple_of3A_176, %dma_start3A_189] : memref<1000000x64xf32, #tpu.memory_space<hbm>> -> memref<8x64xf32, #tpu.memory_space<hbm>>
        tpu.enqueue_dma source(%dma_start3A_190 : memref<8x64xf32, #tpu.memory_space<hbm>>) target(%dma_start3A_188 : memref<8x64xf32, #tpu.memory_space<vmem>>) target_semaphore(%arg7 : memref<!tpu.dma_semaphore, #tpu.memory_space<semaphore_mem>>)
        %slice3A_191 = vector.extract_strided_slice %shift_left3A_41 {offsets = [9], sizes = [1], strides = [1]} : vector<16xi32> to vector<1xi32>
        %squeeze3A_192 = vector.extract %slice3A_191[0] : i32 from vector<1xi32>
        %multiple_of3A_193 = tpu.assume_multiple %squeeze3A_192, 8 : i32
        %mul3A_194 = arith.constant 16 : i32
        %mul3A_195 = arith.muli %scan3A_29, %mul3A_194 : i32
        %add3A_196 = arith.constant 9 : i32
        %add3A_197 = arith.addi %mul3A_195, %add3A_196 : i32
        %mul3A_198 = arith.constant 8 : i32
        %mul3A_199 = arith.muli %add3A_197, %mul3A_198 : i32
        %dma_start3A_200 = arith.constant 0 : i32
        %dma_start3A_201 = tpu.memref_slice %arg6[%mul3A_199, %dma_start3A_200] : memref<512x64xf32, #tpu.memory_space<vmem>> -> memref<8x64xf32, #tpu.memory_space<vmem>>
        %dma_start3A_202 = arith.constant 0 : i32
        %dma_start3A_203 = tpu.memref_slice %arg3[%multiple_of3A_193, %dma_start3A_202] : memref<1000000x64xf32, #tpu.memory_space<hbm>> -> memref<8x64xf32, #tpu.memory_space<hbm>>
        %dma_start3A_204 = arith.constant 0 : i32
        %dma_start3A_205 = tpu.memref_slice %arg6[%mul3A_199, %dma_start3A_204] : memref<512x64xf32, #tpu.memory_space<vmem>> -> memref<8x64xf32, #tpu.memory_space<vmem>>
        %dma_start3A_206 = arith.constant 0 : i32
        %dma_start3A_207 = tpu.memref_slice %arg3[%multiple_of3A_193, %dma_start3A_206] : memref<1000000x64xf32, #tpu.memory_space<hbm>> -> memref<8x64xf32, #tpu.memory_space<hbm>>
        tpu.enqueue_dma source(%dma_start3A_207 : memref<8x64xf32, #tpu.memory_space<hbm>>) target(%dma_start3A_205 : memref<8x64xf32, #tpu.memory_space<vmem>>) target_semaphore(%arg7 : memref<!tpu.dma_semaphore, #tpu.memory_space<semaphore_mem>>)
        %slice3A_208 = vector.extract_strided_slice %shift_left3A_41 {offsets = [10], sizes = [1], strides = [1]} : vector<16xi32> to vector<1xi32>
        %squeeze3A_209 = vector.extract %slice3A_208[0] : i32 from vector<1xi32>
        %multiple_of3A_210 = tpu.assume_multiple %squeeze3A_209, 8 : i32
        %mul3A_211 = arith.constant 16 : i32
        %mul3A_212 = arith.muli %scan3A_29, %mul3A_211 : i32
        %add3A_213 = arith.constant 10 : i32
        %add3A_214 = arith.addi %mul3A_212, %add3A_213 : i32
        %mul3A_215 = arith.constant 8 : i32
        %mul3A_216 = arith.muli %add3A_214, %mul3A_215 : i32
        %dma_start3A_217 = arith.constant 0 : i32
        %dma_start3A_218 = tpu.memref_slice %arg6[%mul3A_216, %dma_start3A_217] : memref<512x64xf32, #tpu.memory_space<vmem>> -> memref<8x64xf32, #tpu.memory_space<vmem>>
        %dma_start3A_219 = arith.constant 0 : i32
        %dma_start3A_220 = tpu.memref_slice %arg3[%multiple_of3A_210, %dma_start3A_219] : memref<1000000x64xf32, #tpu.memory_space<hbm>> -> memref<8x64xf32, #tpu.memory_space<hbm>>
        %dma_start3A_221 = arith.constant 0 : i32
        %dma_start3A_222 = tpu.memref_slice %arg6[%mul3A_216, %dma_start3A_221] : memref<512x64xf32, #tpu.memory_space<vmem>> -> memref<8x64xf32, #tpu.memory_space<vmem>>
        %dma_start3A_223 = arith.constant 0 : i32
        %dma_start3A_224 = tpu.memref_slice %arg3[%multiple_of3A_210, %dma_start3A_223] : memref<1000000x64xf32, #tpu.memory_space<hbm>> -> memref<8x64xf32, #tpu.memory_space<hbm>>
        tpu.enqueue_dma source(%dma_start3A_224 : memref<8x64xf32, #tpu.memory_space<hbm>>) target(%dma_start3A_222 : memref<8x64xf32, #tpu.memory_space<vmem>>) target_semaphore(%arg7 : memref<!tpu.dma_semaphore, #tpu.memory_space<semaphore_mem>>)
        %slice3A_225 = vector.extract_strided_slice %shift_left3A_41 {offsets = [11], sizes = [1], strides = [1]} : vector<16xi32> to vector<1xi32>
        %squeeze3A_226 = vector.extract %slice3A_225[0] : i32 from vector<1xi32>
        %multiple_of3A_227 = tpu.assume_multiple %squeeze3A_226, 8 : i32
        %mul3A_228 = arith.constant 16 : i32
        %mul3A_229 = arith.muli %scan3A_29, %mul3A_228 : i32
        %add3A_230 = arith.constant 11 : i32
        %add3A_231 = arith.addi %mul3A_229, %add3A_230 : i32
        %mul3A_232 = arith.constant 8 : i32
        %mul3A_233 = arith.muli %add3A_231, %mul3A_232 : i32
        %dma_start3A_234 = arith.constant 0 : i32
        %dma_start3A_235 = tpu.memref_slice %arg6[%mul3A_233, %dma_start3A_234] : memref<512x64xf32, #tpu.memory_space<vmem>> -> memref<8x64xf32, #tpu.memory_space<vmem>>
        %dma_start3A_236 = arith.constant 0 : i32
        %dma_start3A_237 = tpu.memref_slice %arg3[%multiple_of3A_227, %dma_start3A_236] : memref<1000000x64xf32, #tpu.memory_space<hbm>> -> memref<8x64xf32, #tpu.memory_space<hbm>>
        %dma_start3A_238 = arith.constant 0 : i32
        %dma_start3A_239 = tpu.memref_slice %arg6[%mul3A_233, %dma_start3A_238] : memref<512x64xf32, #tpu.memory_space<vmem>> -> memref<8x64xf32, #tpu.memory_space<vmem>>
        %dma_start3A_240 = arith.constant 0 : i32
        %dma_start3A_241 = tpu.memref_slice %arg3[%multiple_of3A_227, %dma_start3A_240] : memref<1000000x64xf32, #tpu.memory_space<hbm>> -> memref<8x64xf32, #tpu.memory_space<hbm>>
        tpu.enqueue_dma source(%dma_start3A_241 : memref<8x64xf32, #tpu.memory_space<hbm>>) target(%dma_start3A_239 : memref<8x64xf32, #tpu.memory_space<vmem>>) target_semaphore(%arg7 : memref<!tpu.dma_semaphore, #tpu.memory_space<semaphore_mem>>)
        %slice3A_242 = vector.extract_strided_slice %shift_left3A_41 {offsets = [12], sizes = [1], strides = [1]} : vector<16xi32> to vector<1xi32>
        %squeeze3A_243 = vector.extract %slice3A_242[0] : i32 from vector<1xi32>
        %multiple_of3A_244 = tpu.assume_multiple %squeeze3A_243, 8 : i32
        %mul3A_245 = arith.constant 16 : i32
        %mul3A_246 = arith.muli %scan3A_29, %mul3A_245 : i32
        %add3A_247 = arith.constant 12 : i32
        %add3A_248 = arith.addi %mul3A_246, %add3A_247 : i32
        %mul3A_249 = arith.constant 8 : i32
        %mul3A_250 = arith.muli %add3A_248, %mul3A_249 : i32
        %dma_start3A_251 = arith.constant 0 : i32
        %dma_start3A_252 = tpu.memref_slice %arg6[%mul3A_250, %dma_start3A_251] : memref<512x64xf32, #tpu.memory_space<vmem>> -> memref<8x64xf32, #tpu.memory_space<vmem>>
        %dma_start3A_253 = arith.constant 0 : i32
        %dma_start3A_254 = tpu.memref_slice %arg3[%multiple_of3A_244, %dma_start3A_253] : memref<1000000x64xf32, #tpu.memory_space<hbm>> -> memref<8x64xf32, #tpu.memory_space<hbm>>
        %dma_start3A_255 = arith.constant 0 : i32
        %dma_start3A_256 = tpu.memref_slice %arg6[%mul3A_250, %dma_start3A_255] : memref<512x64xf32, #tpu.memory_space<vmem>> -> memref<8x64xf32, #tpu.memory_space<vmem>>
        %dma_start3A_257 = arith.constant 0 : i32
        %dma_start3A_258 = tpu.memref_slice %arg3[%multiple_of3A_244, %dma_start3A_257] : memref<1000000x64xf32, #tpu.memory_space<hbm>> -> memref<8x64xf32, #tpu.memory_space<hbm>>
        tpu.enqueue_dma source(%dma_start3A_258 : memref<8x64xf32, #tpu.memory_space<hbm>>) target(%dma_start3A_256 : memref<8x64xf32, #tpu.memory_space<vmem>>) target_semaphore(%arg7 : memref<!tpu.dma_semaphore, #tpu.memory_space<semaphore_mem>>)
        %slice3A_259 = vector.extract_strided_slice %shift_left3A_41 {offsets = [13], sizes = [1], strides = [1]} : vector<16xi32> to vector<1xi32>
        %squeeze3A_260 = vector.extract %slice3A_259[0] : i32 from vector<1xi32>
        %multiple_of3A_261 = tpu.assume_multiple %squeeze3A_260, 8 : i32
        %mul3A_262 = arith.constant 16 : i32
        %mul3A_263 = arith.muli %scan3A_29, %mul3A_262 : i32
        %add3A_264 = arith.constant 13 : i32
        %add3A_265 = arith.addi %mul3A_263, %add3A_264 : i32
        %mul3A_266 = arith.constant 8 : i32
        %mul3A_267 = arith.muli %add3A_265, %mul3A_266 : i32
        %dma_start3A_268 = arith.constant 0 : i32
        %dma_start3A_269 = tpu.memref_slice %arg6[%mul3A_267, %dma_start3A_268] : memref<512x64xf32, #tpu.memory_space<vmem>> -> memref<8x64xf32, #tpu.memory_space<vmem>>
        %dma_start3A_270 = arith.constant 0 : i32
        %dma_start3A_271 = tpu.memref_slice %arg3[%multiple_of3A_261, %dma_start3A_270] : memref<1000000x64xf32, #tpu.memory_space<hbm>> -> memref<8x64xf32, #tpu.memory_space<hbm>>
        %dma_start3A_272 = arith.constant 0 : i32
        %dma_start3A_273 = tpu.memref_slice %arg6[%mul3A_267, %dma_start3A_272] : memref<512x64xf32, #tpu.memory_space<vmem>> -> memref<8x64xf32, #tpu.memory_space<vmem>>
        %dma_start3A_274 = arith.constant 0 : i32
        %dma_start3A_275 = tpu.memref_slice %arg3[%multiple_of3A_261, %dma_start3A_274] : memref<1000000x64xf32, #tpu.memory_space<hbm>> -> memref<8x64xf32, #tpu.memory_space<hbm>>
        tpu.enqueue_dma source(%dma_start3A_275 : memref<8x64xf32, #tpu.memory_space<hbm>>) target(%dma_start3A_273 : memref<8x64xf32, #tpu.memory_space<vmem>>) target_semaphore(%arg7 : memref<!tpu.dma_semaphore, #tpu.memory_space<semaphore_mem>>)
        %slice3A_276 = vector.extract_strided_slice %shift_left3A_41 {offsets = [14], sizes = [1], strides = [1]} : vector<16xi32> to vector<1xi32>
        %squeeze3A_277 = vector.extract %slice3A_276[0] : i32 from vector<1xi32>
        %multiple_of3A_278 = tpu.assume_multiple %squeeze3A_277, 8 : i32
        %mul3A_279 = arith.constant 16 : i32
        %mul3A_280 = arith.muli %scan3A_29, %mul3A_279 : i32
        %add3A_281 = arith.constant 14 : i32
        %add3A_282 = arith.addi %mul3A_280, %add3A_281 : i32
        %mul3A_283 = arith.constant 8 : i32
        %mul3A_284 = arith.muli %add3A_282, %mul3A_283 : i32
        %dma_start3A_285 = arith.constant 0 : i32
        %dma_start3A_286 = tpu.memref_slice %arg6[%mul3A_284, %dma_start3A_285] : memref<512x64xf32, #tpu.memory_space<vmem>> -> memref<8x64xf32, #tpu.memory_space<vmem>>
        %dma_start3A_287 = arith.constant 0 : i32
        %dma_start3A_288 = tpu.memref_slice %arg3[%multiple_of3A_278, %dma_start3A_287] : memref<1000000x64xf32, #tpu.memory_space<hbm>> -> memref<8x64xf32, #tpu.memory_space<hbm>>
        %dma_start3A_289 = arith.constant 0 : i32
        %dma_start3A_290 = tpu.memref_slice %arg6[%mul3A_284, %dma_start3A_289] : memref<512x64xf32, #tpu.memory_space<vmem>> -> memref<8x64xf32, #tpu.memory_space<vmem>>
        %dma_start3A_291 = arith.constant 0 : i32
        %dma_start3A_292 = tpu.memref_slice %arg3[%multiple_of3A_278, %dma_start3A_291] : memref<1000000x64xf32, #tpu.memory_space<hbm>> -> memref<8x64xf32, #tpu.memory_space<hbm>>
        tpu.enqueue_dma source(%dma_start3A_292 : memref<8x64xf32, #tpu.memory_space<hbm>>) target(%dma_start3A_290 : memref<8x64xf32, #tpu.memory_space<vmem>>) target_semaphore(%arg7 : memref<!tpu.dma_semaphore, #tpu.memory_space<semaphore_mem>>)
        %slice3A_293 = vector.extract_strided_slice %shift_left3A_41 {offsets = [15], sizes = [1], strides = [1]} : vector<16xi32> to vector<1xi32>
        %squeeze3A_294 = vector.extract %slice3A_293[0] : i32 from vector<1xi32>
        %multiple_of3A_295 = tpu.assume_multiple %squeeze3A_294, 8 : i32
        %mul3A_296 = arith.constant 16 : i32
        %mul3A_297 = arith.muli %scan3A_29, %mul3A_296 : i32
        %add3A_298 = arith.constant 15 : i32
        %add3A_299 = arith.addi %mul3A_297, %add3A_298 : i32
        %mul3A_300 = arith.constant 8 : i32
        %mul3A_301 = arith.muli %add3A_299, %mul3A_300 : i32
        %dma_start3A_302 = arith.constant 0 : i32
        %dma_start3A_303 = tpu.memref_slice %arg6[%mul3A_301, %dma_start3A_302] : memref<512x64xf32, #tpu.memory_space<vmem>> -> memref<8x64xf32, #tpu.memory_space<vmem>>
        %dma_start3A_304 = arith.constant 0 : i32
        %dma_start3A_305 = tpu.memref_slice %arg3[%multiple_of3A_295, %dma_start3A_304] : memref<1000000x64xf32, #tpu.memory_space<hbm>> -> memref<8x64xf32, #tpu.memory_space<hbm>>
        %dma_start3A_306 = arith.constant 0 : i32
        %dma_start3A_307 = tpu.memref_slice %arg6[%mul3A_301, %dma_start3A_306] : memref<512x64xf32, #tpu.memory_space<vmem>> -> memref<8x64xf32, #tpu.memory_space<vmem>>
        %dma_start3A_308 = arith.constant 0 : i32
        %dma_start3A_309 = tpu.memref_slice %arg3[%multiple_of3A_295, %dma_start3A_308] : memref<1000000x64xf32, #tpu.memory_space<hbm>> -> memref<8x64xf32, #tpu.memory_space<hbm>>
        tpu.enqueue_dma source(%dma_start3A_309 : memref<8x64xf32, #tpu.memory_space<hbm>>) target(%dma_start3A_307 : memref<8x64xf32, #tpu.memory_space<vmem>>) target_semaphore(%arg7 : memref<!tpu.dma_semaphore, #tpu.memory_space<semaphore_mem>>)
        %scan3A_310 = arith.constant 0 : i32
        scf.yield %scan3A_310 : i32
      }
      %scan3A_17 = arith.constant 4 : i32
      %dma_wait3A = arith.constant 0 : i32
      %dma_wait3A_18 = arith.constant 0 : i32
      %dma_wait3A_19 = tpu.memref_slice %arg3[%dma_wait3A, %dma_wait3A_18] : memref<1000000x64xf32, #tpu.memory_space<hbm>> -> memref<512x64xf32, #tpu.memory_space<hbm>>
      %dma_wait3A_20 = arith.constant 0 : i32
      %dma_wait3A_21 = arith.constant 0 : i32
      %dma_wait3A_22 = tpu.memref_slice %arg3[%dma_wait3A_20, %dma_wait3A_21] : memref<1000000x64xf32, #tpu.memory_space<hbm>> -> memref<512x64xf32, #tpu.memory_space<hbm>>
      tpu.wait_dma2 semaphore(%arg7 : memref<!tpu.dma_semaphore, #tpu.memory_space<semaphore_mem>>) src(%dma_wait3A_22 : memref<512x64xf32, #tpu.memory_space<hbm>>) dst(%arg6 : memref<512x64xf32, #tpu.memory_space<vmem>>)
      %mul3A_23 = arith.constant 64 : i32
      %mul3A_24 = arith.muli %scan3A_9, %mul3A_23 : i32
      %add3A_25 = arith.addi %mul3A_2, %mul3A_24 : i32
      %mul3A_26 = arith.constant 8 : i32
      %mul3A_27 = arith.muli %add3A_25, %mul3A_26 : i32
      "tpu.region"() ({
        %run_scoped3A = tpu.sem_alloc : memref<!tpu.dma_semaphore, #tpu.memory_space<semaphore_mem>>
        %dma_start3A = arith.constant 0 : i32
        %dma_start3A_29 = tpu.memref_slice %arg4[%mul3A_27, %dma_start3A] : memref<131072x64xf32, #tpu.memory_space<hbm>> -> memref<512x64xf32, #tpu.memory_space<hbm>>
        %dma_start3A_30 = arith.constant 0 : i32
        %dma_start3A_31 = tpu.memref_slice %arg4[%mul3A_27, %dma_start3A_30] : memref<131072x64xf32, #tpu.memory_space<hbm>> -> memref<512x64xf32, #tpu.memory_space<hbm>>
        tpu.enqueue_dma source(%arg6 : memref<512x64xf32, #tpu.memory_space<vmem>>) target(%dma_start3A_31 : memref<512x64xf32, #tpu.memory_space<hbm>>) target_semaphore(%run_scoped3A : memref<!tpu.dma_semaphore, #tpu.memory_space<semaphore_mem>>)
        %dma_wait3A_32 = arith.constant 0 : i32
        %dma_wait3A_33 = tpu.memref_slice %arg4[%mul3A_27, %dma_wait3A_32] : memref<131072x64xf32, #tpu.memory_space<hbm>> -> memref<512x64xf32, #tpu.memory_space<hbm>>
        %dma_wait3A_34 = arith.constant 0 : i32
        %dma_wait3A_35 = tpu.memref_slice %arg4[%mul3A_27, %dma_wait3A_34] : memref<131072x64xf32, #tpu.memory_space<hbm>> -> memref<512x64xf32, #tpu.memory_space<hbm>>
        tpu.wait_dma2 semaphore(%run_scoped3A : memref<!tpu.dma_semaphore, #tpu.memory_space<semaphore_mem>>) src(%arg6 : memref<512x64xf32, #tpu.memory_space<vmem>>) dst(%dma_wait3A_35 : memref<512x64xf32, #tpu.memory_space<hbm>>)
        tpu.yield
      }) : () -> ()
      %scan3A_28 = arith.constant 0 : i32
      scf.yield %scan3A_28 : i32
    }
    %scan3A_8 = arith.constant 8 : i32
    return
  }
}

</mosaic_0001>

<sc_bundles>
// kernel: gather_offload_async_start.1
scs
__scs_entry_jumppad:
0x0: {  	(pc) =	sbr.rel $0x88, $3  }
0x1: {  	(tag) =	ssettag $0x0;
	lr =	simm.s32 $0x1  }
0x2: {  	[smem:$0x3F9F] =	sst lr;
	_ =	strace $0xD0000000  }
0x3: {  	_ = 	snop  }
0x4: {  	_ = 	snop  }
0x5: {  	_ = 	snop  }
0x6: {  	_ = 	snop  }
0x7: {  	_ = 	snop  }
__scs_overlays_trampoline_lowered:
0x8: {  	[smem:$0x3FAE] =	sst s0  }
0x9: {  	[smem:$0x3FAF] =	sst s1  }
0xa: {  	[smem:$0x3FB0] =	sst s2  }
0xb: {  	[smem:$0x3FB1] =	sst s3  }
0xc: {  	[smem:$0x3FB2] =	sst s4  }
0xd: {  	[smem:$0x3FB3] =	sst s5  }
0xe: {  	[smem:$0x3FB4] =	sst s6  }
0xf: {  	[smem:$0x3FB5] =	sst s7  }
0x10: {  	[smem:$0x3FB6] =	sst s8  }
0x11: {  	[smem:$0x3FB7] =	sst s9;
	s0 =	simm.s32 @!p0 $0x0  }
0x12: {  	s1 =	sld [smem:$0x3F9D];
	s0 =	simm.s32 @p0 $0x1  }
0x13: {  	[smem:$0x3FB8] =	sst s0;
	s0 =	simm.s32 @!p1 $0x0  }
0x14: {  	s2 =	sld [smem:$0x3F9C];
	s0 =	simm.s32 @p1 $0x1  }
0x15: {  	[smem:$0x3FB9] =	sst s0;
	s0 =	simm.s32 @!p2 $0x0  }
0x16: {  	s3 =	sld [smem:$0x3FDB];
	s0 =	simm.s32 @p2 $0x1  }
0x17: {  	s4 =	simm.s32 $0x1BF5;
	[smem:$0x3FBB] =	sst s0  }
0x18: {  	s0 =	sld [smem:$0x3F9E];
	_ =	swait.ge [sflag:s4], $0x0  }
0x19: {  	s7 =	sld [smem:$0x3F9F]  }
0x1a: {  	s8 =	sadd.s32 $0xFFFFE003, lr  }
0x1b: {  	s9 =	sadd.s32 $0xFFFFFEF7, lr;
	s5 =	simm.s32 $0xFFFFFFFF;
	p2 =	slt.u32 s8, $0xFFFFF086  }
0x1c: {  	p1 =	slt.u32 s9, $0xF7A;
	s5 =	simm.s32 @!p2 $0x0  }
0x1d: {  	s5 =	simm.s32 @p1 $0x1;
	p0 =	seq.s32 s7, s2  }
0x1e: {  	s7 =	smul.u32 @!p0 $0xF7A, s2;
	p2 =	seq.s32 @!p0 s5, $0x0  }
0x1f: {  	s9 =	smul.u32 $0xF7A, s1;
	s8 =	simm.s32 @!p0 $0x1BF5;
	p2 =	por !p2, p0  }
0x20: {  	[sflag:s8] =	ssyncset.s32 @!p0 $0xFFFFF086;
	s6 =	sadd.s32 @!p0 s3, s7;
	s7 =	simm.s32 @!p0 $0x108  }
0x21: {  	s3 =	sadd.s32 s3, s9;
	s6 =	sadd.s32 @!p0 $0x88, s6;
	s7 =	simm.s32 @p2 $0x1082  }
0x22: {  	[simem:s7], [sflag:s8] =	dma.local @!p0 [hbm:s6], $0xF7A  }
0x23: {  	s9 =	sor.u32 $0xD0000000, s2;
	s6 =	simm.s32 $0x108;
	_ =	swait.ge @!p0 [sflag:s8], $0x0  }
0x24: {  	s3 =	sadd.s32 $0x88, s3;
	s6 =	simm.s32 @!p1 $0x1082;
	[sflag:s4] =	ssyncset.s32 $0xFFFFF086  }
0x25: {  	[simem:s6], [sflag:s4] =	dma.local [hbm:s3], $0xF7A  }
0x26: {  	[smem:$0x3F9F] =	sst s1;
	(tag) =	ssettag s2;
	_ =	strace s9  }
0x27: {  	s1 =	sld [smem:$0x3FAF]  }
0x28: {  	s2 =	sld [smem:$0x3FB0]  }
0x29: {  	s4 =	sld [smem:$0x3FB2]  }
0x2a: {  	p0 =	seq.s32 s5, $0x0;
	s5 =	sld [smem:$0x3FB3]  }
0x2b: {  	s6 =	sld [smem:$0x3FB4]  }
0x2c: {  	s7 =	sld [smem:$0x3FB5]  }
0x2d: {  	s3 =	simm.s32 $0x108;
	s8 =	sld [smem:$0x3FB6]  }
0x2e: {  	s3 =	simm.s32 @!p0 $0x1082;
	s9 =	sld [smem:$0x3FB7]  }
0x2f: {  	lr =	sadd.s32 s0, s3;
	s0 =	sld [smem:$0x3FAE]  }
0x30: {  	s3 =	sld [smem:$0x3FB1]  }
0x31: {  	[smem:$0x3FBA] =	sst s10  }
0x32: {  	s10 =	sld [smem:$0x3FB8];
	_ =	sdelay $0x3  }
0x33: {  	p0 =	seq.s32 s10, $0x1;
	s10 =	sld [smem:$0x3FBA];
	_ =	sdelay $0x3  }
0x34: {  	[smem:$0x3FBA] =	sst s10  }
0x35: {  	s10 =	sld [smem:$0x3FB9];
	_ =	sdelay $0x3  }
0x36: {  	p1 =	seq.s32 s10, $0x1;
	s10 =	sld [smem:$0x3FBA];
	_ =	sdelay $0x3  }
0x37: {  	[smem:$0x3FBA] =	sst s10  }
0x38: {  	s10 =	sld [smem:$0x3FBB]  }
0x39: {  	_ = 	snop;
	(pc) =	sbr.ind lr, $3  }
0x3a: {  	_ = 	snop  }
0x3b: {  	_ = 	snop  }
0x3c: {  	p2 =	seq.s32 s10, $0x1;
	s10 =	sld [smem:$0x3FBA]  }
0x3d: {  	_ =	shalt  }
0x3e: {  	_ =	shalt  }
0x3f: {  	_ =	shalt  }
0x40: {  	_ =	shalt  }
0x41: {  	_ =	shalt  }
0x42: {  	_ =	shalt  }
0x43: {  	_ =	shalt  }
0x44: {  	_ =	shalt  }
0x45: {  	_ =	shalt  }
0x46: {  	_ =	shalt  }
0x47: {  	_ =	shalt  }
0x48: {  	_ =	shalt  }
0x49: {  	_ =	shalt  }
0x4a: {  	_ =	shalt  }
0x4b: {  	_ =	shalt  }
0x4c: {  	_ =	shalt  }
0x4d: {  	_ =	shalt  }
0x4e: {  	_ =	shalt  }
0x4f: {  	_ =	shalt  }
0x50: {  	_ =	shalt  }
0x51: {  	_ =	shalt  }
0x52: {  	_ =	shalt  }
0x53: {  	_ =	shalt  }
0x54: {  	_ =	shalt  }
0x55: {  	_ =	shalt  }
0x56: {  	_ =	shalt  }
0x57: {  	_ =	shalt  }
0x58: {  	_ =	shalt  }
0x59: {  	_ =	shalt  }
0x5a: {  	_ =	shalt  }
0x5b: {  	_ =	shalt  }
0x5c: {  	_ =	shalt  }
0x5d: {  	_ =	shalt  }
0x5e: {  	_ =	shalt  }
0x5f: {  	_ =	shalt  }
0x60: {  	_ =	shalt  }
0x61: {  	_ =	shalt  }
0x62: {  	_ =	shalt  }
0x63: {  	_ =	shalt  }
0x64: {  	_ =	shalt  }
0x65: {  	_ =	shalt  }
0x66: {  	_ =	shalt  }
0x67: {  	_ =	shalt  }
0x68: {  	_ =	shalt  }
0x69: {  	_ =	shalt  }
0x6a: {  	_ =	shalt  }
0x6b: {  	_ =	shalt  }
0x6c: {  	_ =	shalt  }
0x6d: {  	_ =	shalt  }
0x6e: {  	_ =	shalt  }
0x6f: {  	_ =	shalt  }
0x70: {  	_ =	shalt  }
0x71: {  	_ =	shalt  }
0x72: {  	_ =	shalt  }
0x73: {  	_ =	shalt  }
0x74: {  	_ =	shalt  }
0x75: {  	_ =	shalt  }
0x76: {  	_ =	shalt  }
0x77: {  	_ =	shalt  }
0x78: {  	_ =	shalt  }
0x79: {  	_ =	shalt  }
0x7a: {  	_ =	shalt  }
0x7b: {  	_ =	shalt  }
0x7c: {  	_ =	shalt  }
0x7d: {  	_ =	shalt  }
0x7e: {  	_ =	shalt  }
0x7f: {  	_ =	shalt  }
0x80: {  	_ =	shalt  }
0x81: {  	_ =	shalt  }
0x82: {  	_ =	shalt  }
0x83: {  	_ =	shalt  }
0x84: {  	_ =	shalt  }
0x85: {  	_ =	shalt  }
0x86: {  	_ =	shalt  }
0x87: {  	_ =	shalt  }
.Lfunc_end0:
.L_simem_size_0:
called_computation.1_lowered:
.L_overlay_start_0:
0x88: {  	s2 =	sld [smem:$0x3FD9]  }
0x89: {  	s3 =	sld [smem:$0x3FFE];
	_ =	sdelay $0x1  }
0x8a: {  	s1 =	srdreg.scid  }
0x8b: {  	s0 =	sand.u32 $0x1, s1  }
0x8c: {  	s17 =	sshll.u32 s0, $0xA;
	s2 =	sadd.s32 s3, s2  }
0x8d: {  	s2 =	sadd.s32 s2, s17  }
0x8e: {  	[smem:$0x3FC6] =	sst s2  }
0x8f: {  	_ = 	snop  }
0x90: {  	s18 =	sld [smem:$0x3FD0];
	(tm) =	ssettm $0x1  }
0x91: {  	s19 =	sld [smem:$0x3FFB];
	_ =	sdelay $0x3  }
0x92: {  	_ =	strace s19  }
0x93: {  	s2 =	sld [smem:$0x3FFC];
	_ =	sdelay $0x3  }
0x94: {  	_ =	strace s2  }
0x95: {  	s2 =	sld [smem:$0x3FFD];
	_ =	sdelay $0x3  }
0x96: {  	_ =	strace s2  }
0x97: {  	_ =	strace $0x8FFFFFFF  }
0x98: {  	s20 =	sld [smem:$0x3FDB];
	_ =	sdelay $0x1  }
0x99: {  	s4 =	simm.s32 $_scs_section_size  }
0x9a: {  	s5 =	simm.s32 $_size__tile_overlayer_lowered;
	s6 =	simm.s32 $_tile_overlayer_lowered  }
0x9b: {  	s7 =	simm.s32 $0x1BFF;
	s21 =	sshll.u32 s6, $0x1;
	s4 =	sadd.s32 s4, s20  }
0x9c: {  	s22 =	simm.s32 $0x0;
	s5 =	sshll.u32 s5, $0x1;
	s6 =	sadd.s32 s21, s4  }
0x9d: {  	[timem:s22], [sflag:s7] =	dma.local [hbm:s6], s5  }
0x9e: {  	_ =	swait.ge [sflag:s7], s5  }
0x9f: {  	s5 =	ssub.s32 $0x0, s5;
	[sflag:s7] =	ssyncset.done $0x0  }
0xa0: {  	[sflag:s7] =	ssyncadd.s32 s5;
	_ =	sdelay $0x1  }
0xa1: {  	s23 =	simm.s32 $0x1B8B  }
0xa2: {  	_ =	swait.ge [sflag:s23], $0x1  }
0xa3: {  	[sflag:s23] =	ssyncset.done $0x0  }
0xa4: {  	[sflag:s23] =	ssyncadd.s32 $0xFFFFFFFF  }
0xa5: {  	s5 =	sld [smem:$0x0]  }
0xa6: {  	s6 =	sand.u32 $0xFFFFFFFE, s1  }
0xa7: {  	p0 =	sne.s32 s1, s6  }
0xa8: {  	s6 =	sshll.u32 @p0 s6, $0xE  }
0xa9: {  	s6 =	sadd.s32 @p0 $0x11B8D, s6;
	s7 =	sshll.u32 @p0 s5, $0x11  }
0xaa: {  	s6 =	sor.u32 @p0 s7, s6  }
0xab: {  	[sflag:s6] =	ssyncadd.remote.s32 @p0 $0x1;
	_ =	sdelay $0x1  }
0xac: {  	s6 =	simm.s32 @p0 $0x1B8D  }
0xad: {  	_ =	swait.eq @p0 [sflag:s6], $0x1  }
0xae: {  	[sflag:s6] =	ssyncadd.s32 @p0 $0xFFFFFFFF  }
0xaf: {  	s7 =	sshll.u32 @!p0 s1, $0xE  }
0xb0: {  	s7 =	sor.u32 @!p0 $0x4000, s7;
	s6 =	simm.s32 @!p0 $0x1B8D  }
0xb1: {  	s5 =	sshll.u32 @!p0 s5, $0x11;
	s7 =	sadd.s32 @!p0 $0x11B8D, s7;
	_ =	swait.eq @!p0 [sflag:s6], $0x1  }
0xb2: {  	s5 =	sor.u32 @!p0 s5, s7;
	[sflag:s6] =	ssyncadd.s32 @!p0 $0xFFFFFFFF  }
0xb3: {  	s25 =	simm.s32 $0x1B8E;
	s24 =	sld [smem:$0x3FFE];
	[sflag:s5] =	ssyncadd.remote.s32 @!p0 $0x1  }
0xb4: {  	s26 =	simm.s32 $execute0_lowered;
	[smem:$0x3FD2] =	sst s25  }
0xb5: {  	s6 =	sshll.u32 s26, $0x1;
	_ =	strace $0x8000004C;
	[dreg:$0x1] =	wrdreg $0xFFFFFFFF  }
0xb6: {  	s28 =	simm.s32 $_size_execute0_lowered;
	s4 =	sadd.s32 s4, s6;
	[dreg:$0x0] =	wrdreg $0x0  }
0xb7: {  	s6 =	sshll.u32 s28, $0x1;
	[dreg:$0x2] =	wrdreg s4  }
0xb8: {  	[dreg:$0x3] =	wrdreg s6  }
0xb9: {  	[dreg:$0x4] =	wrdreg $0xC0  }
0xba: {  	_ =	task [dreg:s22], $0x5FFFF  }
0xbb: {  	[dreg:$0x1] =	wrdreg $0xFFFFFFFF  }
0xbc: {  	[dreg:$0x0] =	wrdreg $0x60  }
0xbd: {  	[dreg:$0x2] =	wrdreg s24  }
0xbe: {  	[dreg:$0x3] =	wrdreg s18  }
0xbf: {  	[dreg:$0x4] =	wrdreg $0xA  }
0xc0: {  	_ =	task.clear_ibuf [dreg:s22], $0x5FFFF;
	_ =	strace $0x9000004C  }
0xc1: {  	s29 =	simm.s32 $0xA;
	_ =	strace $0x8000004E  }
0xc2: {  	_ =	swait.ge [sflag:s29], $0x1  }
0xc3: {  	[sflag:s29] =	ssyncadd.s32 $0xFFFFFFFF  }
0xc4: {  	_ =	strace $0x9000004E  }
0xc5: {  	_ =	sfence  }
0xc6: {  	s30 =	sld [smem:$0x0];
	_ =	sdelay $0x2  }
0xc7: {  	s31 =	sshll.u32 s1, $0xD;
	s1 =	sshrl.u32 s1, $0x2  }
0xc8: {  	s4 =	sand.u32 $0x4000, s31;
	s1 =	sadd.s32 s1, s30  }
0xc9: {  	s0 =	sor.u32 s4, s0;
	s1 =	sshll.u32 s1, $0x11  }
0xca: {  	s0 =	sor.u32 s1, s0  }
0xcb: {  	s0 =	sadd.s32 $0x8F2B, s0  }
0xcc: {  	[sflag:s0] =	ssyncadd.remote.s32 $0x1  }
0xcd: {  	_ =	sfence.sel $0xFFFF  }
0xce: {  	[dreg:$0x0] =	wrdreg $0xFFFFFFFF;
	(pc) =	sbr.abs _section_cstart, $3  }
0xcf: {  	[dreg:$0x1] =	wrdreg $0xFFFFFFFF  }
0xd0: {  	_ =	task.clear_ibuf [dreg:s22], $0x2FFFF;
	_ =	strace $0x9FFFFFFF  }
0xd1: {  	(tm) =	ssettm $0x7FFFFFFF  }
tec
execute0_lowered:
.L_overlay_start_1:
0x0: {  	(tag) =	ssettag $0x1  }
0x1: {  	s7 =	rddreg [dreg:$0x0]  }
0x2: {  	s2 =	rddreg [dreg:$0x1]  }
0x3: {  	s0 =	rddreg [dreg:$0x2]  }
0x4: {  	s1 =	srdreg.scid;
	_ =	strace $0x8000004D;
	s4 =	simm.s32 $0x1  }
0x5: {  	s9 =	simm.s32 $0x3;
	s11 =	simm.s32 $0x0;
	s5 =	sshll.u32 s1, $0x4  }
.Ltmp0:
0x6: {  	s1 =	stileid.u32;
	s5 =	sand.u32 $0x10, s5;
	(pc) =	sbr.rel .LBB2_1-.Ltmp0, $4  }
0x7: {  	p0 =	por $0x0, $0x0;
	s3 =	sadd.s32 $0xF42A00, s7;
	s6 =	sor.u32 s1, s5  }
0x8: {  	[sflag:s4] =	ssyncpa.u1 $0x0;
	s5 =	simm.s32 $0x2;
	s6 =	sshll.u32 s6, $0x9  }
0x9: {  	s7 =	sadd.s32 $0x1183200, s7;
	[sflag:s5] =	ssyncpa.u1 $0x0;
	s8 =	sadd.s32 $0x200, s6  }
0xa: {  	vm0 =	vmmov $0xff;
	vm1 =	vcmask $0x3F20;
	[sflag:s9] =	ssyncpa.u1 $0x0;
	s10 =	smov.u32 s6;
	s9 =	simm.s32 $0x0  }
.LBB2_7:
0xb: {  	p1 =	slt.u32 s9, $0x2;
	s11 =	sadd.s32 $0x100, s10  }
0xc: {  	s13 =	smov.u32 s6;
	s9 =	sadd.s32 $0x1, s9;
	p2 =	slt.s32 s11, s8  }
0xd: {  	s13 =	smov.u32 @p2 s11;
	p2 =	sne.s32 s9, $0x4  }
.Ltmp1:
0xe: {  	_ = 	snop;
	(pc) =	sbr.rel @!p2 .LBB2_8-.Ltmp1, $4  }
0xf: {  	s12 =	simm.s32 @!p1 $0x3  }
0x10: {  	_ =	swait.ge @!p1 [sflag:s12], $0x8000  }
0x11: {  	p0 =	por !p0, !p0;
	[sflag:s12] =	ssyncset.done @!p1 $0x0  }
0x12: {  	s11 =	smov.u32 s10;
	s10 =	smov.u32 s13;
	[sflag:s12] =	ssyncadd.s32 @!p1 $0xFFFF8000  }
.LBB2_1:
0x13: {  	p1 =	sgt.u32 s9, $0x1  }
0x14: {  	s12 =	sshll.u32 @!p1 s9, $0x8;
	s13 =	sshrl.u32 @!p1 s10, $0x3  }
0x15: {  	s14 =	sand.u32 @!p1 $0x7, s10;
	s12 =	sxor.u32 @!p1 $0x100, s12;
	s13 =	sadd.s32 @!p1 s2, s13  }
0x16: {  	[tilespmem:s12], [sflag:$0x2] =	stream.linear.gather @!p1 [hbm4b:s13+s14], $0x100, $0x38;
	[tilespmem:$0x10200] =	vst v63  }
0x17: {  	p1 =	seq.s32 s9, $0x0  }
0x18: {  	p2 =	seq.s32 @!p1 s9, $0x3  }
0x19: {  	p1 =	por p1, p2  }
.Ltmp2:
0x1a: {  	_ = 	snop;
	(pc) =	sbr.rel @p1 .LBB2_7-.Ltmp2, $1  }
0x1b: {  	_ =	sdelay $0x3  }
0x1c: {  	s12 =	simm.s32 $0x1  }
0x1d: {  	_ =	swait.ge [sflag:s5], $0x100;
	s12 =	simm.s32 @!p0 $0x0  }
0x1e: {  	[sflag:s5] =	ssyncset.done $0x0;
	s14 =	sshll.u32 s12, $0x8  }
0x1f: {  	[sflag:s5] =	ssyncadd.s32 $0xFFFFFF00;
	s13 =	sadd.s32 $0x0, s14  }
0x20: {  	v0 =	vld.msk [tilespmem:s13+$0x0 ss:$0x1], $0xffff;
	_ =	sdelay $0x4  }
0x21: {  	v1 =	vshrl.u32 v0, $0xE  }
0x22: {  	vm2 =	veq.s32 v0, $0x80000000;
	v0 =	vshll.u32 v0, $0xA;
	v1 =	vand.u32 $0x7, v1  }
0x23: {  	v0 =	vand.u32 $0xFFFC00, v0;
	v1 =	vsel vm2, $0xFFFFFFFF, v1  }
0x24: {  	v0 =	vsel vm2, $0xFFFFFC00, v0;
	v2 =	vand.u32 $0xFFFFFC00, v1;
	v1 =	vshll.u32 v1, $0x7  }
0x25: {  	v0 =	vadd.s32 v0, v2;
	v1 =	vand.u32 $0x380, v1  }
0x26: {  	v0 =	vor.u32 v1, v0  }
0x27: {  	v0 =	vshrl.u32 v0, $0x3;
	_ =	sdelay $0x2  }
0x28: {  	s12 =	sshll.u32 s12, $0xF  }
0x29: {  	s12 =	sor.u32 $0x200, s12  }
0x2a: {  	[tilespmem:s12], [sflag:$0x1] =	stream.indirect_vreg.gather [hbm:s3], $0x80, v0, vm0, $0x38;
	[tilespmem:$0x10200] =	vst v63  }
0x2b: {  	s15 =	sadd.s32 $0x10, s14;
	s13 =	sadd.s32 $0x400, s12  }
0x2c: {  	[tilespmem:s13], [sflag:$0x1] =	stream.indirect_vreg.gather [hbm:s3], $0x80, v0, vm1, $0x38;
	[tilespmem:$0x10200] =	vst v63  }
0x2d: {  	s16 =	simm.s32 $0x80;
	v0 =	vld.msk [tilespmem:s15+$0x0 ss:$0x1], $0xffff;
	s15 =	smov.u32 s12  }
.LBB2_3:
0x2e: {  	p1 =	sne.s32 s16, $0x3C0;
	_ =	sdelay $0x4  }
0x2f: {  	v1 =	vshrl.u32 v0, $0xE  }
0x30: {  	vm2 =	veq.s32 v0, $0x80000000;
	v0 =	vshll.u32 v0, $0xA;
	v1 =	vand.u32 $0x7, v1  }
0x31: {  	v0 =	vand.u32 $0xFFFC00, v0;
	v1 =	vsel vm2, $0xFFFFFFFF, v1  }
0x32: {  	v0 =	vsel vm2, $0xFFFFFC00, v0;
	v2 =	vand.u32 $0xFFFFFC00, v1;
	v1 =	vshll.u32 v1, $0x7  }
0x33: {  	v0 =	vadd.s32 v0, v2;
	v1 =	vand.u32 $0x380, v1  }
0x34: {  	v0 =	vor.u32 v1, v0  }
0x35: {  	v0 =	vshrl.u32 v0, $0x3;
	_ =	sdelay $0x3  }
.Ltmp3:
0x36: {  	s17 =	sshra.s32 s16, $0x2;
	s15 =	sadd.s32 $0x800, s15;
	(pc) =	sbr.rel @p1 .LBB2_3-.Ltmp3, $4  }
0x37: {  	[tilespmem:s15], [sflag:$0x1] =	stream.indirect_vreg.gather [hbm:s3], $0x80, v0, vm0, $0x38;
	[tilespmem:$0x10200] =	vst v63  }
0x38: {  	s17 =	sadd.s32 s17, s14;
	s18 =	sadd.s32 $0x400, s15  }
0x39: {  	[tilespmem:s18], [sflag:$0x1] =	stream.indirect_vreg.gather [hbm:s3], $0x80, v0, vm1, $0x38;
	[tilespmem:$0x10200] =	vst v63  }
0x3a: {  	s16 =	sadd.s32 $0x40, s16;
	v0 =	vld.msk [tilespmem:s17+$0x0 ss:$0x1], $0xffff  }
0x3b: {  	_ =	sdelay $0x3  }
0x3c: {  	v1 =	vshrl.u32 v0, $0xE  }
0x3d: {  	vm2 =	veq.s32 v0, $0x80000000;
	v63 =	vshll.u32 v0, $0xA;
	v1 =	vand.u32 $0x7, v1  }
0x3e: {  	v0 =	vand.u32 $0xFFFC00, v63;
	v1 =	vsel vm2, $0xFFFFFFFF, v1  }
0x3f: {  	v0 =	vsel vm2, $0xFFFFFC00, v0;
	v2 =	vand.u32 $0xFFFFFC00, v1;
	v1 =	vshll.u32 v1, $0x7  }
0x40: {  	v0 =	vadd.s32 v0, v2;
	v1 =	vand.u32 $0x380, v1  }
0x41: {  	v0 =	vor.u32 v1, v0  }
0x42: {  	v0 =	vshrl.u32 v0, $0x3;
	_ =	sdelay $0x3  }
0x43: {  	s14 =	sadd.s32 $0x800, s15  }
0x44: {  	[tilespmem:s14], [sflag:$0x1] =	stream.indirect_vreg.gather [hbm:s3], $0x80, v0, vm0, $0x38;
	[tilespmem:$0x10200] =	vst v63  }
0x45: {  	s14 =	sadd.s32 $0x400, s14  }
0x46: {  	[tilespmem:s14], [sflag:$0x1] =	stream.indirect_vreg.gather [hbm:s3], $0x80, v0, vm1, $0x38;
	[tilespmem:$0x10200] =	vst v63  }
0x47: {  	s11 =	sshll.u32 s11, $0x4;
	_ =	swait.ge [sflag:s4], $0x8000  }
0x48: {  	s11 =	sadd.s32 s11, s7;
	[sflag:s4] =	ssyncset.done $0x0  }
0x49: {  	s15 =	sadd.s32 $0x0, s11;
	s14 =	simm.s32 $0x80;
	[sflag:s4] =	ssyncadd.s32 $0xFFFF8000  }
.LBB2_5:
0x4a: {  	[hbm:s15] =	stream.linear.scatter [tilespmem:s12], [sflag:$0x3], $0x400, $0x38;
	[tilespmem:$0x10200] =	vst v63  }
0x4b: {  	s15 =	smov.u32 s14;
	s12 =	smov.u32 s13;
	p1 =	sne.s32 s14, $0xF80  }
.Ltmp4:
0x4c: {  	s14 =	sadd.s32 $0x80, s14;
	(pc) =	sbr.rel @p1 .LBB2_5-.Ltmp4, $2  }
0x4d: {  	_ =	sdelay $0x2  }
0x4e: {  	s13 =	sadd.s32 $0x400, s13;
	s15 =	sadd.s32 s15, s11  }
.Ltmp5:
0x4f: {  	(pc) =	sbr.rel .LBB2_7-.Ltmp5, $2  }
0x50: {  	_ =	sdelay $0x2  }
0x51: {  	[hbm:s15] =	stream.linear.scatter [tilespmem:s12], [sflag:$0x3], $0x400, $0x38;
	[tilespmem:$0x10200] =	vst v63  }
.LBB2_8:
0x52: {  	_ =	sfence.sel $0x180000  }
0x53: {  	s2 =	simm.s32 $0x2;
	[bflag:$0x0] =	sbarrier.arrive $0xFFFF  }
0x54: {  	s30 =	simm.s32 $0x3;
	[sflag:s2] =	ssyncpa.u1 $0x1  }
0x55: {  	s31 =	simm.s32 $0x1;
	[sflag:s30] =	ssyncpa.u1 $0x1  }
0x56: {  	[sflag:s31] =	ssyncpa.u1 $0x1  }
0x57: {  	p0 =	sne.s32 s1, $0x0;
	_ =	strace $0x9000004D  }
0x58: {  	s0 =	sadd.s32 @!p0 $0x100000, s0;
	[bflag:$0x2] =	sbarrier.arrive $0xFFFF  }
0x59: {  	[sflag:s0] =	ssyncadd.tile.s32 @!p0 $0x1;
	_ =	shalt  }
.Lfunc_end2:
_tile_overlayer_lowered:
.L_overlay_start_2:
0x5a: {  	(tag) =	ssettag $0x2  }
0x5b: {  	s0 =	rddreg [dreg:$0x0];
	s2 =	stileid.u32  }
0x5c: {  	s1 =	rddreg [dreg:$0x1];
	p0 =	sne.s32 s2, $0x0  }
0x5d: {  	s3 =	rddreg [dreg:$0x2];
	[bflag:$0x3] =	sbarrier.arrive $0xFFFF;
	s2 =	simm.s32 @!p0 $0x1C01  }
0x5e: {  	[timem:s3], [sflag:s2] =	dma.local @!p0 [hbm:s0], s1  }
0x5f: {  	s0 =	simm.s32 @!p0 $0x1  }
0x60: {  	_ =	swait.ge @!p0 [sflag:s0], s1  }
0x61: {  	s1 =	ssub.s32 @!p0 $0x0, s1;
	[sflag:s0] =	ssyncset.done @!p0 $0x0  }
0x62: {  	[sflag:s0] =	ssyncadd.s32 @!p0 s1  }
0x63: {  	[bflag:$0x3] =	sbarrier.arrive $0xFFFF  }
0x64: {  	_ =	shalt  }

// kernel: gather_offload_async_start
scs
__scs_entry_jumppad:
0x0: {  	(pc) =	sbr.rel $0x88, $3  }
0x1: {  	(tag) =	ssettag $0x0;
	lr =	simm.s32 $0x1  }
0x2: {  	[smem:$0x3F9F] =	sst lr;
	_ =	strace $0xD0000000  }
0x3: {  	_ = 	snop  }
0x4: {  	_ = 	snop  }
0x5: {  	_ = 	snop  }
0x6: {  	_ = 	snop  }
0x7: {  	_ = 	snop  }
__scs_overlays_trampoline_lowered:
0x8: {  	[smem:$0x3FAE] =	sst s0  }
0x9: {  	[smem:$0x3FAF] =	sst s1  }
0xa: {  	[smem:$0x3FB0] =	sst s2  }
0xb: {  	[smem:$0x3FB1] =	sst s3  }
0xc: {  	[smem:$0x3FB2] =	sst s4  }
0xd: {  	[smem:$0x3FB3] =	sst s5  }
0xe: {  	[smem:$0x3FB4] =	sst s6  }
0xf: {  	[smem:$0x3FB5] =	sst s7  }
0x10: {  	[smem:$0x3FB6] =	sst s8  }
0x11: {  	[smem:$0x3FB7] =	sst s9;
	s0 =	simm.s32 @!p0 $0x0  }
0x12: {  	s1 =	sld [smem:$0x3F9D];
	s0 =	simm.s32 @p0 $0x1  }
0x13: {  	[smem:$0x3FB8] =	sst s0;
	s0 =	simm.s32 @!p1 $0x0  }
0x14: {  	s2 =	sld [smem:$0x3F9C];
	s0 =	simm.s32 @p1 $0x1  }
0x15: {  	[smem:$0x3FB9] =	sst s0;
	s0 =	simm.s32 @!p2 $0x0  }
0x16: {  	s3 =	sld [smem:$0x3FDB];
	s0 =	simm.s32 @p2 $0x1  }
0x17: {  	s4 =	simm.s32 $0x1BF5;
	[smem:$0x3FBB] =	sst s0  }
0x18: {  	s0 =	sld [smem:$0x3F9E];
	_ =	swait.ge [sflag:s4], $0x0  }
0x19: {  	s7 =	sld [smem:$0x3F9F]  }
0x1a: {  	s8 =	sadd.s32 $0xFFFFE003, lr  }
0x1b: {  	s9 =	sadd.s32 $0xFFFFFEF7, lr;
	s5 =	simm.s32 $0xFFFFFFFF;
	p2 =	slt.u32 s8, $0xFFFFF086  }
0x1c: {  	p1 =	slt.u32 s9, $0xF7A;
	s5 =	simm.s32 @!p2 $0x0  }
0x1d: {  	s5 =	simm.s32 @p1 $0x1;
	p0 =	seq.s32 s7, s2  }
0x1e: {  	s7 =	smul.u32 @!p0 $0xF7A, s2;
	p2 =	seq.s32 @!p0 s5, $0x0  }
0x1f: {  	s9 =	smul.u32 $0xF7A, s1;
	s8 =	simm.s32 @!p0 $0x1BF5;
	p2 =	por !p2, p0  }
0x20: {  	[sflag:s8] =	ssyncset.s32 @!p0 $0xFFFFF086;
	s6 =	sadd.s32 @!p0 s3, s7;
	s7 =	simm.s32 @!p0 $0x108  }
0x21: {  	s3 =	sadd.s32 s3, s9;
	s6 =	sadd.s32 @!p0 $0x88, s6;
	s7 =	simm.s32 @p2 $0x1082  }
0x22: {  	[simem:s7], [sflag:s8] =	dma.local @!p0 [hbm:s6], $0xF7A  }
0x23: {  	s9 =	sor.u32 $0xD0000000, s2;
	s6 =	simm.s32 $0x108;
	_ =	swait.ge @!p0 [sflag:s8], $0x0  }
0x24: {  	s3 =	sadd.s32 $0x88, s3;
	s6 =	simm.s32 @!p1 $0x1082;
	[sflag:s4] =	ssyncset.s32 $0xFFFFF086  }
0x25: {  	[simem:s6], [sflag:s4] =	dma.local [hbm:s3], $0xF7A  }
0x26: {  	[smem:$0x3F9F] =	sst s1;
	(tag) =	ssettag s2;
	_ =	strace s9  }
0x27: {  	s1 =	sld [smem:$0x3FAF]  }
0x28: {  	s2 =	sld [smem:$0x3FB0]  }
0x29: {  	s4 =	sld [smem:$0x3FB2]  }
0x2a: {  	p0 =	seq.s32 s5, $0x0;
	s5 =	sld [smem:$0x3FB3]  }
0x2b: {  	s6 =	sld [smem:$0x3FB4]  }
0x2c: {  	s7 =	sld [smem:$0x3FB5]  }
0x2d: {  	s3 =	simm.s32 $0x108;
	s8 =	sld [smem:$0x3FB6]  }
0x2e: {  	s3 =	simm.s32 @!p0 $0x1082;
	s9 =	sld [smem:$0x3FB7]  }
0x2f: {  	lr =	sadd.s32 s0, s3;
	s0 =	sld [smem:$0x3FAE]  }
0x30: {  	s3 =	sld [smem:$0x3FB1]  }
0x31: {  	[smem:$0x3FBA] =	sst s10  }
0x32: {  	s10 =	sld [smem:$0x3FB8];
	_ =	sdelay $0x3  }
0x33: {  	p0 =	seq.s32 s10, $0x1;
	s10 =	sld [smem:$0x3FBA];
	_ =	sdelay $0x3  }
0x34: {  	[smem:$0x3FBA] =	sst s10  }
0x35: {  	s10 =	sld [smem:$0x3FB9];
	_ =	sdelay $0x3  }
0x36: {  	p1 =	seq.s32 s10, $0x1;
	s10 =	sld [smem:$0x3FBA];
	_ =	sdelay $0x3  }
0x37: {  	[smem:$0x3FBA] =	sst s10  }
0x38: {  	s10 =	sld [smem:$0x3FBB]  }
0x39: {  	_ = 	snop;
	(pc) =	sbr.ind lr, $3  }
0x3a: {  	_ = 	snop  }
0x3b: {  	_ = 	snop  }
0x3c: {  	p2 =	seq.s32 s10, $0x1;
	s10 =	sld [smem:$0x3FBA]  }
0x3d: {  	_ =	shalt  }
0x3e: {  	_ =	shalt  }
0x3f: {  	_ =	shalt  }
0x40: {  	_ =	shalt  }
0x41: {  	_ =	shalt  }
0x42: {  	_ =	shalt  }
0x43: {  	_ =	shalt  }
0x44: {  	_ =	shalt  }
0x45: {  	_ =	shalt  }
0x46: {  	_ =	shalt  }
0x47: {  	_ =	shalt  }
0x48: {  	_ =	shalt  }
0x49: {  	_ =	shalt  }
0x4a: {  	_ =	shalt  }
0x4b: {  	_ =	shalt  }
0x4c: {  	_ =	shalt  }
0x4d: {  	_ =	shalt  }
0x4e: {  	_ =	shalt  }
0x4f: {  	_ =	shalt  }
0x50: {  	_ =	shalt  }
0x51: {  	_ =	shalt  }
0x52: {  	_ =	shalt  }
0x53: {  	_ =	shalt  }
0x54: {  	_ =	shalt  }
0x55: {  	_ =	shalt  }
0x56: {  	_ =	shalt  }
0x57: {  	_ =	shalt  }
0x58: {  	_ =	shalt  }
0x59: {  	_ =	shalt  }
0x5a: {  	_ =	shalt  }
0x5b: {  	_ =	shalt  }
0x5c: {  	_ =	shalt  }
0x5d: {  	_ =	shalt  }
0x5e: {  	_ =	shalt  }
0x5f: {  	_ =	shalt  }
0x60: {  	_ =	shalt  }
0x61: {  	_ =	shalt  }
0x62: {  	_ =	shalt  }
0x63: {  	_ =	shalt  }
0x64: {  	_ =	shalt  }
0x65: {  	_ =	shalt  }
0x66: {  	_ =	shalt  }
0x67: {  	_ =	shalt  }
0x68: {  	_ =	shalt  }
0x69: {  	_ =	shalt  }
0x6a: {  	_ =	shalt  }
0x6b: {  	_ =	shalt  }
0x6c: {  	_ =	shalt  }
0x6d: {  	_ =	shalt  }
0x6e: {  	_ =	shalt  }
0x6f: {  	_ =	shalt  }
0x70: {  	_ =	shalt  }
0x71: {  	_ =	shalt  }
0x72: {  	_ =	shalt  }
0x73: {  	_ =	shalt  }
0x74: {  	_ =	shalt  }
0x75: {  	_ =	shalt  }
0x76: {  	_ =	shalt  }
0x77: {  	_ =	shalt  }
0x78: {  	_ =	shalt  }
0x79: {  	_ =	shalt  }
0x7a: {  	_ =	shalt  }
0x7b: {  	_ =	shalt  }
0x7c: {  	_ =	shalt  }
0x7d: {  	_ =	shalt  }
0x7e: {  	_ =	shalt  }
0x7f: {  	_ =	shalt  }
0x80: {  	_ =	shalt  }
0x81: {  	_ =	shalt  }
0x82: {  	_ =	shalt  }
0x83: {  	_ =	shalt  }
0x84: {  	_ =	shalt  }
0x85: {  	_ =	shalt  }
0x86: {  	_ =	shalt  }
0x87: {  	_ =	shalt  }
.Lfunc_end0:
.L_simem_size_0:
called_computation_lowered:
.L_overlay_start_0:
0x88: {  	s2 =	sld [smem:$0x3FD9]  }
0x89: {  	s3 =	sld [smem:$0x3FFE];
	_ =	sdelay $0x1  }
0x8a: {  	s1 =	srdreg.scid  }
0x8b: {  	s0 =	sand.u32 $0x1, s1  }
0x8c: {  	s17 =	sshll.u32 s0, $0xA;
	s2 =	sadd.s32 s3, s2  }
0x8d: {  	s2 =	sadd.s32 s2, s17  }
0x8e: {  	[smem:$0x3FC6] =	sst s2  }
0x8f: {  	_ = 	snop  }
0x90: {  	(tm) =	ssettm $0x1  }
0x91: {  	s18 =	sld [smem:$0x3FFB];
	_ =	sdelay $0x3  }
0x92: {  	_ =	strace s18  }
0x93: {  	s2 =	sld [smem:$0x3FFC];
	_ =	sdelay $0x3  }
0x94: {  	_ =	strace s2  }
0x95: {  	s2 =	sld [smem:$0x3FFD];
	_ =	sdelay $0x3  }
0x96: {  	_ =	strace s2  }
0x97: {  	_ =	strace $0x8FFFFFFF  }
0x98: {  	s19 =	sld [smem:$0x3FDB];
	_ =	sdelay $0x1  }
0x99: {  	s20 =	simm.s32 $_scs_section_size  }
0x9a: {  	s4 =	simm.s32 $_size__tile_overlayer_lowered;
	s5 =	simm.s32 $_tile_overlayer_lowered  }
0x9b: {  	s6 =	simm.s32 $0x1BFF;
	s21 =	sshll.u32 s5, $0x1;
	s3 =	sadd.s32 s20, s19  }
0x9c: {  	s22 =	simm.s32 $0x0;
	s4 =	sshll.u32 s4, $0x1;
	s5 =	sadd.s32 s21, s3  }
0x9d: {  	[timem:s22], [sflag:s6] =	dma.local [hbm:s5], s4  }
0x9e: {  	_ =	swait.ge [sflag:s6], s4  }
0x9f: {  	s4 =	ssub.s32 $0x0, s4;
	[sflag:s6] =	ssyncset.done $0x0  }
0xa0: {  	[sflag:s6] =	ssyncadd.s32 s4;
	_ =	sdelay $0x1  }
0xa1: {  	s23 =	simm.s32 $0x1B8B  }
0xa2: {  	_ =	swait.ge [sflag:s23], $0x1  }
0xa3: {  	[sflag:s23] =	ssyncset.done $0x0  }
0xa4: {  	[sflag:s23] =	ssyncadd.s32 $0xFFFFFFFF  }
0xa5: {  	s4 =	sld [smem:$0x0]  }
0xa6: {  	s5 =	sand.u32 $0xFFFFFFFE, s1  }
0xa7: {  	p0 =	sne.s32 s1, s5  }
0xa8: {  	s5 =	sshll.u32 @p0 s5, $0xE  }
0xa9: {  	s5 =	sadd.s32 @p0 $0x11B8D, s5;
	s6 =	sshll.u32 @p0 s4, $0x11  }
0xaa: {  	s5 =	sor.u32 @p0 s6, s5  }
0xab: {  	[sflag:s5] =	ssyncadd.remote.s32 @p0 $0x1;
	_ =	sdelay $0x1  }
0xac: {  	s5 =	simm.s32 @p0 $0x1B8D  }
0xad: {  	_ =	swait.eq @p0 [sflag:s5], $0x1  }
0xae: {  	[sflag:s5] =	ssyncadd.s32 @p0 $0xFFFFFFFF  }
0xaf: {  	s6 =	sshll.u32 @!p0 s1, $0xE  }
0xb0: {  	s6 =	sor.u32 @!p0 $0x4000, s6;
	s5 =	simm.s32 @!p0 $0x1B8D  }
0xb1: {  	s4 =	sshll.u32 @!p0 s4, $0x11;
	s6 =	sadd.s32 @!p0 $0x11B8D, s6;
	_ =	swait.eq @!p0 [sflag:s5], $0x1  }
0xb2: {  	s4 =	sor.u32 @!p0 s4, s6;
	[sflag:s5] =	ssyncadd.s32 @!p0 $0xFFFFFFFF  }
0xb3: {  	s25 =	simm.s32 $0x1B8E;
	s24 =	sld [smem:$0x3FFE];
	[sflag:s4] =	ssyncadd.remote.s32 @!p0 $0x1  }
0xb4: {  	s26 =	simm.s32 $execute0_lowered;
	[smem:$0x3FD2] =	sst s25  }
0xb5: {  	s5 =	sshll.u32 s26, $0x1;
	_ =	strace $0x80000049;
	[dreg:$0x1] =	wrdreg $0xFFFFFFFF  }
0xb6: {  	s28 =	simm.s32 $_size_execute0_lowered;
	s3 =	sadd.s32 s3, s5;
	[dreg:$0x0] =	wrdreg $0x0  }
0xb7: {  	s5 =	sshll.u32 s28, $0x1;
	[dreg:$0x2] =	wrdreg s3  }
0xb8: {  	[dreg:$0x3] =	wrdreg s5  }
0xb9: {  	[dreg:$0x4] =	wrdreg $0xC0  }
0xba: {  	_ =	task [dreg:s22], $0x5FFFF  }
0xbb: {  	[dreg:$0x1] =	wrdreg $0xFFFFFFFF  }
0xbc: {  	[dreg:$0x0] =	wrdreg $0x60  }
0xbd: {  	[dreg:$0x2] =	wrdreg s24  }
0xbe: {  	[dreg:$0x3] =	wrdreg $0x9  }
0xbf: {  	_ =	task.clear_ibuf [dreg:s22], $0x4FFFF;
	_ =	strace $0x90000049  }
0xc0: {  	s29 =	simm.s32 $0x9;
	_ =	strace $0x8000004B  }
0xc1: {  	_ =	swait.ge [sflag:s29], $0x1  }
0xc2: {  	[sflag:s29] =	ssyncadd.s32 $0xFFFFFFFF  }
0xc3: {  	_ =	strace $0x9000004B  }
0xc4: {  	_ =	sfence  }
0xc5: {  	s30 =	sld [smem:$0x0];
	_ =	sdelay $0x2  }
0xc6: {  	s31 =	sshll.u32 s1, $0xD;
	s1 =	sshrl.u32 s1, $0x2  }
0xc7: {  	s4 =	sand.u32 $0x4000, s31;
	s1 =	sadd.s32 s1, s30  }
0xc8: {  	s0 =	sor.u32 s4, s0;
	s1 =	sshll.u32 s1, $0x11  }
0xc9: {  	s0 =	sor.u32 s1, s0  }
0xca: {  	s0 =	sadd.s32 $0x8F2B, s0  }
0xcb: {  	[sflag:s0] =	ssyncadd.remote.s32 $0x1  }
0xcc: {  	_ =	sfence.sel $0xFFFF  }
0xcd: {  	[dreg:$0x0] =	wrdreg $0xFFFFFFFF;
	(pc) =	sbr.abs _section_cstart, $3  }
0xce: {  	[dreg:$0x1] =	wrdreg $0xFFFFFFFF  }
0xcf: {  	_ =	task.clear_ibuf [dreg:s22], $0x2FFFF;
	_ =	strace $0x9FFFFFFF  }
0xd0: {  	(tm) =	ssettm $0x7FFFFFFF  }
0xd1: {  	_ =	shalt  }
tec
execute0_lowered:
.L_overlay_start_1:
0x0: {  	(tag) =	ssettag $0x1  }
0x1: {  	s7 =	rddreg [dreg:$0x0]  }
0x2: {  	s0 =	rddreg [dreg:$0x1];
	_ =	strace $0x8000004A  }
0x3: {  	s1 =	srdreg.scid;
	s4 =	simm.s32 $0x1;
	s9 =	simm.s32 $0x3  }
0x4: {  	s11 =	simm.s32 $0x0;
	p0 =	por $0x0, $0x0;
	s5 =	sshll.u32 s1, $0x4  }
.Ltmp0:
0x5: {  	s1 =	stileid.u32;
	s5 =	sand.u32 $0x10, s5;
	(pc) =	sbr.rel .LBB2_1-.Ltmp0, $4  }
0x6: {  	s2 =	sadd.s32 $0x600, s7;
	s3 =	sadd.s32 $0x1142A00, s7;
	s6 =	sor.u32 s1, s5  }
0x7: {  	[sflag:s4] =	ssyncpa.u1 $0x0;
	s5 =	simm.s32 $0x2;
	s6 =	sshll.u32 s6, $0x9  }
0x8: {  	s7 =	sadd.s32 $0x1143200, s7;
	[sflag:s5] =	ssyncpa.u1 $0x0;
	s8 =	sadd.s32 $0x200, s6  }
0x9: {  	vm0 =	vmmov $0xff;
	vm1 =	vcmask $0x3F20;
	[sflag:s9] =	ssyncpa.u1 $0x0;
	s10 =	smov.u32 s6;
	s9 =	simm.s32 $0x0  }
.LBB2_7:
0xa: {  	p1 =	slt.u32 s9, $0x2;
	s11 =	sadd.s32 $0x100, s10  }
0xb: {  	s13 =	smov.u32 s6;
	s9 =	sadd.s32 $0x1, s9;
	p2 =	slt.s32 s11, s8  }
0xc: {  	s13 =	smov.u32 @p2 s11;
	p2 =	sne.s32 s9, $0x4  }
.Ltmp1:
0xd: {  	_ = 	snop;
	(pc) =	sbr.rel @!p2 .LBB2_8-.Ltmp1, $4  }
0xe: {  	s12 =	simm.s32 @!p1 $0x3  }
0xf: {  	_ =	swait.ge @!p1 [sflag:s12], $0x8000  }
0x10: {  	p0 =	por !p0, !p0;
	[sflag:s12] =	ssyncset.done @!p1 $0x0  }
0x11: {  	s11 =	smov.u32 s10;
	s10 =	smov.u32 s13;
	[sflag:s12] =	ssyncadd.s32 @!p1 $0xFFFF8000  }
.LBB2_1:
0x12: {  	p1 =	sgt.u32 s9, $0x1  }
0x13: {  	s12 =	sshll.u32 @!p1 s9, $0x8;
	s13 =	sshrl.u32 @!p1 s10, $0x3  }
0x14: {  	s14 =	sand.u32 @!p1 $0x7, s10;
	s12 =	sxor.u32 @!p1 $0x100, s12;
	s13 =	sadd.s32 @!p1 s3, s13  }
0x15: {  	[tilespmem:s12], [sflag:$0x2] =	stream.linear.gather @!p1 [hbm4b:s13+s14], $0x100, $0x38;
	[tilespmem:$0x10200] =	vst v63  }
0x16: {  	p1 =	seq.s32 s9, $0x0  }
0x17: {  	p2 =	seq.s32 @!p1 s9, $0x3  }
0x18: {  	p1 =	por p1, p2  }
.Ltmp2:
0x19: {  	_ = 	snop;
	(pc) =	sbr.rel @p1 .LBB2_7-.Ltmp2, $1  }
0x1a: {  	_ =	sdelay $0x3  }
0x1b: {  	s12 =	simm.s32 $0x1  }
0x1c: {  	_ =	swait.ge [sflag:s5], $0x100;
	s12 =	simm.s32 @!p0 $0x0  }
0x1d: {  	[sflag:s5] =	ssyncset.done $0x0;
	s14 =	sshll.u32 s12, $0x8  }
0x1e: {  	[sflag:s5] =	ssyncadd.s32 $0xFFFFFF00;
	s13 =	sadd.s32 $0x0, s14  }
0x1f: {  	v0 =	vld.msk [tilespmem:s13+$0x0 ss:$0x1], $0xffff;
	_ =	sdelay $0x4  }
0x20: {  	vm2 =	vgt.s32 v0, $0x0  }
0x21: {  	v0 =	vnsel vm2, $0x0, v0  }
0x22: {  	v0 =	vmin.u32 v0, $0xF423F  }
0x23: {  	v0 =	vshll.u32 v0, $0x4;
	_ =	sdelay $0x2  }
0x24: {  	s12 =	sshll.u32 s12, $0xF  }
0x25: {  	s12 =	sor.u32 $0x200, s12  }
0x26: {  	[tilespmem:s12], [sflag:$0x1] =	stream.indirect_vreg.gather [hbm:s2], $0x80, v0, vm0, $0x38;
	[tilespmem:$0x10200] =	vst v63  }
0x27: {  	s15 =	sadd.s32 $0x10, s14;
	s13 =	sadd.s32 $0x400, s12  }
0x28: {  	[tilespmem:s13], [sflag:$0x1] =	stream.indirect_vreg.gather [hbm:s2], $0x80, v0, vm1, $0x38;
	[tilespmem:$0x10200] =	vst v63  }
0x29: {  	s16 =	simm.s32 $0x80;
	v0 =	vld.msk [tilespmem:s15+$0x0 ss:$0x1], $0xffff;
	s15 =	smov.u32 s12  }
.LBB2_3:
0x2a: {  	p1 =	sne.s32 s16, $0x3C0;
	_ =	sdelay $0x4  }
0x2b: {  	vm2 =	vgt.s32 v0, $0x0  }
0x2c: {  	v0 =	vnsel vm2, $0x0, v0  }
0x2d: {  	v0 =	vmin.u32 v0, $0xF423F  }
0x2e: {  	v0 =	vshll.u32 v0, $0x4;
	_ =	sdelay $0x3  }
.Ltmp3:
0x2f: {  	s17 =	sshra.s32 s16, $0x2;
	s15 =	sadd.s32 $0x800, s15;
	(pc) =	sbr.rel @p1 .LBB2_3-.Ltmp3, $4  }
0x30: {  	[tilespmem:s15], [sflag:$0x1] =	stream.indirect_vreg.gather [hbm:s2], $0x80, v0, vm0, $0x38;
	[tilespmem:$0x10200] =	vst v63  }
0x31: {  	s17 =	sadd.s32 s17, s14;
	s18 =	sadd.s32 $0x400, s15  }
0x32: {  	[tilespmem:s18], [sflag:$0x1] =	stream.indirect_vreg.gather [hbm:s2], $0x80, v0, vm1, $0x38;
	[tilespmem:$0x10200] =	vst v63  }
0x33: {  	s16 =	sadd.s32 $0x40, s16;
	v0 =	vld.msk [tilespmem:s17+$0x0 ss:$0x1], $0xffff  }
0x34: {  	_ =	sdelay $0x3  }
0x35: {  	vm2 =	vgt.s32 v0, $0x0  }
0x36: {  	v0 =	vnsel vm2, $0x0, v0  }
0x37: {  	v0 =	vmin.u32 v0, $0xF423F  }
0x38: {  	v0 =	vshll.u32 v0, $0x4;
	_ =	sdelay $0x3  }
0x39: {  	s14 =	sadd.s32 $0x800, s15  }
0x3a: {  	[tilespmem:s14], [sflag:$0x1] =	stream.indirect_vreg.gather [hbm:s2], $0x80, v0, vm0, $0x38;
	[tilespmem:$0x10200] =	vst v63  }
0x3b: {  	s14 =	sadd.s32 $0x400, s14  }
0x3c: {  	[tilespmem:s14], [sflag:$0x1] =	stream.indirect_vreg.gather [hbm:s2], $0x80, v0, vm1, $0x38;
	[tilespmem:$0x10200] =	vst v63  }
0x3d: {  	s11 =	sshll.u32 s11, $0x4;
	_ =	swait.ge [sflag:s4], $0x8000  }
0x3e: {  	s11 =	sadd.s32 s11, s7;
	[sflag:s4] =	ssyncset.done $0x0  }
0x3f: {  	s15 =	sadd.s32 $0x0, s11;
	s14 =	simm.s32 $0x80;
	[sflag:s4] =	ssyncadd.s32 $0xFFFF8000  }
.LBB2_5:
0x40: {  	[hbm:s15] =	stream.linear.scatter [tilespmem:s12], [sflag:$0x3], $0x400, $0x38;
	[tilespmem:$0x10200] =	vst v63  }
0x41: {  	s15 =	smov.u32 s14;
	s12 =	smov.u32 s13;
	p1 =	sne.s32 s14, $0xF80  }
.Ltmp4:
0x42: {  	s14 =	sadd.s32 $0x80, s14;
	(pc) =	sbr.rel @p1 .LBB2_5-.Ltmp4, $2  }
0x43: {  	_ =	sdelay $0x2  }
0x44: {  	s13 =	sadd.s32 $0x400, s13;
	s15 =	sadd.s32 s15, s11  }
.Ltmp5:
0x45: {  	(pc) =	sbr.rel .LBB2_7-.Ltmp5, $2  }
0x46: {  	_ =	sdelay $0x2  }
0x47: {  	[hbm:s15] =	stream.linear.scatter [tilespmem:s12], [sflag:$0x3], $0x400, $0x38;
	[tilespmem:$0x10200] =	vst v63  }
.LBB2_8:
0x48: {  	_ =	sfence.sel $0x180000  }
0x49: {  	s2 =	simm.s32 $0x2;
	[bflag:$0x0] =	sbarrier.arrive $0xFFFF  }
0x4a: {  	s30 =	simm.s32 $0x3;
	[sflag:s2] =	ssyncpa.u1 $0x1  }
0x4b: {  	s31 =	simm.s32 $0x1;
	[sflag:s30] =	ssyncpa.u1 $0x1  }
0x4c: {  	[sflag:s31] =	ssyncpa.u1 $0x1  }
0x4d: {  	p0 =	sne.s32 s1, $0x0;
	_ =	strace $0x9000004A  }
0x4e: {  	s0 =	sadd.s32 @!p0 $0x100000, s0;
	[bflag:$0x2] =	sbarrier.arrive $0xFFFF  }
0x4f: {  	[sflag:s0] =	ssyncadd.tile.s32 @!p0 $0x1;
	_ =	shalt  }
.Lfunc_end2:
_tile_overlayer_lowered:
.L_overlay_start_2:
0x50: {  	(tag) =	ssettag $0x2  }
0x51: {  	s0 =	rddreg [dreg:$0x0];
	s2 =	stileid.u32  }
0x52: {  	s1 =	rddreg [dreg:$0x1];
	p0 =	sne.s32 s2, $0x0  }
0x53: {  	s3 =	rddreg [dreg:$0x2];
	[bflag:$0x3] =	sbarrier.arrive $0xFFFF;
	s2 =	simm.s32 @!p0 $0x1C01  }
0x54: {  	[timem:s3], [sflag:s2] =	dma.local @!p0 [hbm:s0], s1  }
0x55: {  	s0 =	simm.s32 @!p0 $0x1  }
0x56: {  	_ =	swait.ge @!p0 [sflag:s0], s1  }
0x57: {  	s1 =	ssub.s32 @!p0 $0x0, s1;
	[sflag:s0] =	ssyncset.done @!p0 $0x0  }
0x58: {  	[sflag:s0] =	ssyncadd.s32 @!p0 s1  }
0x59: {  	[bflag:$0x3] =	sbarrier.arrive $0xFFFF  }
0x5a: {  	_ =	shalt  }

// kernel: kernel.3.cloned.1.call-start
scs
__scs_entry_jumppad:
0x0: {  	(pc) =	sbr.rel $0x88, $3  }
0x1: {  	(tag) =	ssettag $0x0;
	lr =	simm.s32 $0x1  }
0x2: {  	[smem:$0x3F9F] =	sst lr;
	_ =	strace $0xD0000000  }
0x3: {  	_ = 	snop  }
0x4: {  	_ = 	snop  }
0x5: {  	_ = 	snop  }
0x6: {  	_ = 	snop  }
0x7: {  	_ = 	snop  }
__scs_overlays_trampoline_lowered:
0x8: {  	[smem:$0x3FAE] =	sst s0  }
0x9: {  	[smem:$0x3FAF] =	sst s1  }
0xa: {  	[smem:$0x3FB0] =	sst s2  }
0xb: {  	[smem:$0x3FB1] =	sst s3  }
0xc: {  	[smem:$0x3FB2] =	sst s4  }
0xd: {  	[smem:$0x3FB3] =	sst s5  }
0xe: {  	[smem:$0x3FB4] =	sst s6  }
0xf: {  	[smem:$0x3FB5] =	sst s7  }
0x10: {  	[smem:$0x3FB6] =	sst s8  }
0x11: {  	[smem:$0x3FB7] =	sst s9;
	s0 =	simm.s32 @!p0 $0x0  }
0x12: {  	s1 =	sld [smem:$0x3F9D];
	s0 =	simm.s32 @p0 $0x1  }
0x13: {  	[smem:$0x3FB8] =	sst s0;
	s0 =	simm.s32 @!p1 $0x0  }
0x14: {  	s2 =	sld [smem:$0x3F9C];
	s0 =	simm.s32 @p1 $0x1  }
0x15: {  	[smem:$0x3FB9] =	sst s0;
	s0 =	simm.s32 @!p2 $0x0  }
0x16: {  	s3 =	sld [smem:$0x3FDB];
	s0 =	simm.s32 @p2 $0x1  }
0x17: {  	s4 =	simm.s32 $0x1BF5;
	[smem:$0x3FBB] =	sst s0  }
0x18: {  	s0 =	sld [smem:$0x3F9E];
	_ =	swait.ge [sflag:s4], $0x0  }
0x19: {  	s7 =	sld [smem:$0x3F9F]  }
0x1a: {  	s8 =	sadd.s32 $0xFFFFE003, lr  }
0x1b: {  	s9 =	sadd.s32 $0xFFFFFEF7, lr;
	s5 =	simm.s32 $0xFFFFFFFF;
	p2 =	slt.u32 s8, $0xFFFFF086  }
0x1c: {  	p1 =	slt.u32 s9, $0xF7A;
	s5 =	simm.s32 @!p2 $0x0  }
0x1d: {  	s5 =	simm.s32 @p1 $0x1;
	p0 =	seq.s32 s7, s2  }
0x1e: {  	s7 =	smul.u32 @!p0 $0xF7A, s2;
	p2 =	seq.s32 @!p0 s5, $0x0  }
0x1f: {  	s9 =	smul.u32 $0xF7A, s1;
	s8 =	simm.s32 @!p0 $0x1BF5;
	p2 =	por !p2, p0  }
0x20: {  	[sflag:s8] =	ssyncset.s32 @!p0 $0xFFFFF086;
	s6 =	sadd.s32 @!p0 s3, s7;
	s7 =	simm.s32 @!p0 $0x108  }
0x21: {  	s3 =	sadd.s32 s3, s9;
	s6 =	sadd.s32 @!p0 $0x88, s6;
	s7 =	simm.s32 @p2 $0x1082  }
0x22: {  	[simem:s7], [sflag:s8] =	dma.local @!p0 [hbm:s6], $0xF7A  }
0x23: {  	s9 =	sor.u32 $0xD0000000, s2;
	s6 =	simm.s32 $0x108;
	_ =	swait.ge @!p0 [sflag:s8], $0x0  }
0x24: {  	s3 =	sadd.s32 $0x88, s3;
	s6 =	simm.s32 @!p1 $0x1082;
	[sflag:s4] =	ssyncset.s32 $0xFFFFF086  }
0x25: {  	[simem:s6], [sflag:s4] =	dma.local [hbm:s3], $0xF7A  }
0x26: {  	[smem:$0x3F9F] =	sst s1;
	(tag) =	ssettag s2;
	_ =	strace s9  }
0x27: {  	s1 =	sld [smem:$0x3FAF]  }
0x28: {  	s2 =	sld [smem:$0x3FB0]  }
0x29: {  	s4 =	sld [smem:$0x3FB2]  }
0x2a: {  	p0 =	seq.s32 s5, $0x0;
	s5 =	sld [smem:$0x3FB3]  }
0x2b: {  	s6 =	sld [smem:$0x3FB4]  }
0x2c: {  	s7 =	sld [smem:$0x3FB5]  }
0x2d: {  	s3 =	simm.s32 $0x108;
	s8 =	sld [smem:$0x3FB6]  }
0x2e: {  	s3 =	simm.s32 @!p0 $0x1082;
	s9 =	sld [smem:$0x3FB7]  }
0x2f: {  	lr =	sadd.s32 s0, s3;
	s0 =	sld [smem:$0x3FAE]  }
0x30: {  	s3 =	sld [smem:$0x3FB1]  }
0x31: {  	[smem:$0x3FBA] =	sst s10  }
0x32: {  	s10 =	sld [smem:$0x3FB8];
	_ =	sdelay $0x3  }
0x33: {  	p0 =	seq.s32 s10, $0x1;
	s10 =	sld [smem:$0x3FBA];
	_ =	sdelay $0x3  }
0x34: {  	[smem:$0x3FBA] =	sst s10  }
0x35: {  	s10 =	sld [smem:$0x3FB9];
	_ =	sdelay $0x3  }
0x36: {  	p1 =	seq.s32 s10, $0x1;
	s10 =	sld [smem:$0x3FBA];
	_ =	sdelay $0x3  }
0x37: {  	[smem:$0x3FBA] =	sst s10  }
0x38: {  	s10 =	sld [smem:$0x3FBB]  }
0x39: {  	_ = 	snop;
	(pc) =	sbr.ind lr, $3  }
0x3a: {  	_ = 	snop  }
0x3b: {  	_ = 	snop  }
0x3c: {  	p2 =	seq.s32 s10, $0x1;
	s10 =	sld [smem:$0x3FBA]  }
0x3d: {  	_ =	shalt  }
0x3e: {  	_ =	shalt  }
0x3f: {  	_ =	shalt  }
0x40: {  	_ =	shalt  }
0x41: {  	_ =	shalt  }
0x42: {  	_ =	shalt  }
0x43: {  	_ =	shalt  }
0x44: {  	_ =	shalt  }
0x45: {  	_ =	shalt  }
0x46: {  	_ =	shalt  }
0x47: {  	_ =	shalt  }
0x48: {  	_ =	shalt  }
0x49: {  	_ =	shalt  }
0x4a: {  	_ =	shalt  }
0x4b: {  	_ =	shalt  }
0x4c: {  	_ =	shalt  }
0x4d: {  	_ =	shalt  }
0x4e: {  	_ =	shalt  }
0x4f: {  	_ =	shalt  }
0x50: {  	_ =	shalt  }
0x51: {  	_ =	shalt  }
0x52: {  	_ =	shalt  }
0x53: {  	_ =	shalt  }
0x54: {  	_ =	shalt  }
0x55: {  	_ =	shalt  }
0x56: {  	_ =	shalt  }
0x57: {  	_ =	shalt  }
0x58: {  	_ =	shalt  }
0x59: {  	_ =	shalt  }
0x5a: {  	_ =	shalt  }
0x5b: {  	_ =	shalt  }
0x5c: {  	_ =	shalt  }
0x5d: {  	_ =	shalt  }
0x5e: {  	_ =	shalt  }
0x5f: {  	_ =	shalt  }
0x60: {  	_ =	shalt  }
0x61: {  	_ =	shalt  }
0x62: {  	_ =	shalt  }
0x63: {  	_ =	shalt  }
0x64: {  	_ =	shalt  }
0x65: {  	_ =	shalt  }
0x66: {  	_ =	shalt  }
0x67: {  	_ =	shalt  }
0x68: {  	_ =	shalt  }
0x69: {  	_ =	shalt  }
0x6a: {  	_ =	shalt  }
0x6b: {  	_ =	shalt  }
0x6c: {  	_ =	shalt  }
0x6d: {  	_ =	shalt  }
0x6e: {  	_ =	shalt  }
0x6f: {  	_ =	shalt  }
0x70: {  	_ =	shalt  }
0x71: {  	_ =	shalt  }
0x72: {  	_ =	shalt  }
0x73: {  	_ =	shalt  }
0x74: {  	_ =	shalt  }
0x75: {  	_ =	shalt  }
0x76: {  	_ =	shalt  }
0x77: {  	_ =	shalt  }
0x78: {  	_ =	shalt  }
0x79: {  	_ =	shalt  }
0x7a: {  	_ =	shalt  }
0x7b: {  	_ =	shalt  }
0x7c: {  	_ =	shalt  }
0x7d: {  	_ =	shalt  }
0x7e: {  	_ =	shalt  }
0x7f: {  	_ =	shalt  }
0x80: {  	_ =	shalt  }
0x81: {  	_ =	shalt  }
0x82: {  	_ =	shalt  }
0x83: {  	_ =	shalt  }
0x84: {  	_ =	shalt  }
0x85: {  	_ =	shalt  }
0x86: {  	_ =	shalt  }
0x87: {  	_ =	shalt  }
.Lfunc_end0:
.L_simem_size_0:
called_computation.2_lowered:
.L_overlay_start_0:
0x88: {  	s2 =	sld [smem:$0x3FD9]  }
0x89: {  	s3 =	sld [smem:$0x3FFE];
	_ =	sdelay $0x1  }
0x8a: {  	s1 =	srdreg.scid  }
0x8b: {  	s0 =	sand.u32 $0x1, s1  }
0x8c: {  	s17 =	sshll.u32 s0, $0xA;
	s2 =	sadd.s32 s3, s2  }
0x8d: {  	s2 =	sadd.s32 s2, s17  }
0x8e: {  	[smem:$0x3FC6] =	sst s2  }
0x8f: {  	_ = 	snop  }
0x90: {  	s2 =	sld [smem:$0x3FC9];
	(tm) =	ssettm $0x1  }
0x91: {  	s18 =	sld [smem:$0x3FFB];
	_ =	sdelay $0x3  }
0x92: {  	_ =	strace s18  }
0x93: {  	s3 =	sld [smem:$0x3FFC];
	_ =	sdelay $0x3  }
0x94: {  	_ =	strace s3  }
0x95: {  	s3 =	sld [smem:$0x3FFD];
	_ =	sdelay $0x3  }
0x96: {  	_ =	strace s3  }
0x97: {  	_ =	strace $0x8FFFFFFF  }
0x98: {  	s19 =	sld [smem:$0x3FDB];
	_ =	sdelay $0x1  }
0x99: {  	s4 =	simm.s32 $_scs_section_size  }
0x9a: {  	s5 =	simm.s32 $_size__tile_overlayer_lowered;
	s6 =	simm.s32 $_tile_overlayer_lowered  }
0x9b: {  	s22 =	simm.s32 $0x1BFF;
	s21 =	sshll.u32 s6, $0x1;
	s3 =	sadd.s32 s4, s19  }
0x9c: {  	s7 =	simm.s32 $0x0;
	s20 =	sshll.u32 s5, $0x1;
	s5 =	sadd.s32 s21, s3  }
0x9d: {  	[timem:s7], [sflag:s22] =	dma.local [hbm:s5], s20  }
0x9e: {  	_ =	swait.ge [sflag:s22], s20  }
0x9f: {  	s4 =	ssub.s32 $0x0, s20;
	[sflag:s22] =	ssyncset.done $0x0  }
0xa0: {  	[sflag:s22] =	ssyncadd.s32 s4;
	_ =	sdelay $0x1  }
0xa1: {  	s23 =	simm.s32 $0x1B8B  }
0xa2: {  	_ =	swait.ge [sflag:s23], $0x1  }
0xa3: {  	[sflag:s23] =	ssyncset.done $0x0  }
0xa4: {  	s25 =	simm.s32 $0x1B8E;
	s24 =	sld [smem:$0x3FFE];
	[sflag:s23] =	ssyncadd.s32 $0xFFFFFFFF  }
0xa5: {  	s26 =	simm.s32 $execute0_lowered;
	[smem:$0x3FD2] =	sst s25  }
0xa6: {  	s5 =	sshll.u32 s26, $0x1;
	_ =	strace $0x80000046;
	[dreg:$0x1] =	wrdreg $0xFFFFFFFF  }
0xa7: {  	s28 =	simm.s32 $_size_execute0_lowered;
	s3 =	sadd.s32 s3, s5;
	[dreg:$0x0] =	wrdreg $0x0  }
0xa8: {  	s5 =	sshll.u32 s28, $0x1;
	[dreg:$0x2] =	wrdreg s3  }
0xa9: {  	[dreg:$0x3] =	wrdreg s5  }
0xaa: {  	[dreg:$0x4] =	wrdreg $0xC0  }
0xab: {  	_ =	task [dreg:s7], $0x5FFFF  }
0xac: {  	[dreg:$0x1] =	wrdreg $0xFFFFFFFF  }
0xad: {  	[dreg:$0x0] =	wrdreg $0x60  }
0xae: {  	[dreg:$0x2] =	wrdreg s2  }
0xaf: {  	[dreg:$0x3] =	wrdreg s24  }
0xb0: {  	[dreg:$0x4] =	wrdreg $0xA  }
0xb1: {  	_ =	task.clear_ibuf [dreg:s7], $0x5FFFF;
	_ =	strace $0x90000046  }
0xb2: {  	s29 =	simm.s32 $0xA;
	_ =	strace $0x80000048  }
0xb3: {  	_ =	swait.ge [sflag:s29], $0x1  }
0xb4: {  	[sflag:s29] =	ssyncadd.s32 $0xFFFFFFFF  }
0xb5: {  	_ =	strace $0x90000048  }
0xb6: {  	_ =	sfence  }
0xb7: {  	s30 =	sld [smem:$0x0];
	_ =	sdelay $0x2  }
0xb8: {  	s31 =	sshll.u32 s1, $0xD;
	s1 =	sshrl.u32 s1, $0x2  }
0xb9: {  	s3 =	sand.u32 $0x4000, s31;
	s1 =	sadd.s32 s1, s30  }
0xba: {  	s0 =	sor.u32 s3, s0;
	s1 =	sshll.u32 s1, $0x11  }
0xbb: {  	s0 =	sor.u32 s1, s0  }
0xbc: {  	s0 =	sadd.s32 $0x8F2B, s0  }
0xbd: {  	[sflag:s0] =	ssyncadd.remote.s32 $0x1  }
0xbe: {  	_ =	sfence.sel $0xFFFF  }
0xbf: {  	[dreg:$0x0] =	wrdreg $0xFFFFFFFF;
	(pc) =	sbr.abs _section_cstart, $3  }
0xc0: {  	[dreg:$0x1] =	wrdreg $0xFFFFFFFF  }
0xc1: {  	_ =	task.clear_ibuf [dreg:s7], $0x2FFFF;
	_ =	strace $0x9FFFFFFF  }
0xc2: {  	(tm) =	ssettm $0x7FFFFFFF  }
0xc3: {  	_ =	shalt  }
tec
execute0_lowered:
.L_overlay_start_1:
0x0: {  	(tag) =	ssettag $0x1  }
0x1: {  	s3 =	rddreg [dreg:$0x0]  }
0x2: {  	s4 =	rddreg [dreg:$0x1]  }
0x3: {  	s0 =	rddreg [dreg:$0x2]  }
0x4: {  	s2 =	simm.s32 $0x0;
	s5 =	srdreg.scid;
	s1 =	stileid.u32  }
0x5: {  	s9 =	simm.s32 $0x0;
	[smem:$0x7FF] =	sst s2;
	s5 =	sand.u32 $0x1, s5  }
0x6: {  	s6 =	sadd.s32 $0x600, s4;
	s7 =	sshll.u32 s1, $0xA;
	_ =	strace $0x80000047  }
0x7: {  	s8 =	sshll.u32 s5, $0x9;
	[dreg:$0x3] =	wrdreg s6;
	s5 =	ssub.s32 $0x2, s5  }
0x8: {  	s30 =	sor.u32 s8, s7;
	s31 =	sshrl.u32 s5, $0x1;
	s8 =	simm.s32 $0x200  }
0x9: {  	s7 =	sshll.u32 s30, $0x7;
	s6 =	sshrl.u32 s30, $0x3;
	s5 =	ssub.s32 s5, s31  }
0xa: {  	s4 =	sadd.s32 s7, s4;
	s3 =	sadd.s32 s3, s6;
	s5 =	smax.u32 s5, $0x1  }
0xb: {  	s6 =	simm.s32 $0x2;
	s7 =	simm.s32 $0x1;
	s4 =	sadd.s32 $0xF42A00, s4  }
.LBB2_1:
0xc: {  	[tilespmem:s2], [sflag:$0x2] =	stream.linear.gather [hbm4b:s3+s2], $0x200, $0x38;
	[tilespmem:$0x10200] =	vst v63  }
0xd: {  	_ =	swait.ge [sflag:s6], $0x200  }
0xe: {  	[sflag:s6] =	ssyncset.done $0x0  }
0xf: {  	s10 =	simm.s32 $0x0;
	s11 =	simm.s32 $0x0;
	[sflag:s6] =	ssyncadd.s32 $0xFFFFFE00  }
.LBB2_2:
0x10: {  	v0 =	vld [tilespmem:s10+$0x0];
	_ =	sdelay $0x4  }
0x11: {  	v0 =	vand.u32 $0xFFFFFFF8, v0  }
0x12: {  	s12 =	rddreg [dreg:$0x3];
	v0 =	vshll.u32 v0, $0x4  }
0x13: {  	v0 =	vadd.s32 s12, v0  }
0x14: {  	(v2sf) =	vpush v0, $0x0;
	_ =	sdelay $0x1  }
0x15: {  	(v2sf) =	vpush v0, $0x1;
	_ =	sdelay $0x1  }
0x16: {  	(v2sf) =	vpush v0, $0x2;
	_ =	sdelay $0x1  }
0x17: {  	(v2sf) =	vpush v0, $0x3;
	_ =	sdelay $0x1  }
0x18: {  	(v2sf) =	vpush v0, $0x4;
	_ =	sdelay $0x1  }
0x19: {  	(v2sf) =	vpush v0, $0x5;
	_ =	sdelay $0x1  }
0x1a: {  	(v2sf) =	vpush v0, $0x6;
	_ =	sdelay $0x1  }
0x1b: {  	(v2sf) =	vpush v0, $0x7  }
0x1c: {  	s20 =	simm.s32 $0x200;
	s13 =	spop (v2sf)  }
0x1d: {  	(v2sf) =	vpush v0, $0x8;
	[tilespmem:s20], [sflag:$0x1] =	stream.linear.gather [hbm4b:s13+s2], $0x400, $0x38;
	[tilespmem:$0x10200] =	vst v63  }
0x1e: {  	s21 =	simm.s32 $0x600;
	s22 =	spop (v2sf);
	(v2sf) =	vpush v0, $0x9  }
0x1f: {  	[tilespmem:s21], [sflag:$0x1] =	stream.linear.gather [hbm4b:s22+s2], $0x400, $0x38;
	[tilespmem:$0x10200] =	vst v63  }
0x20: {  	s23 =	simm.s32 $0xA00;
	s24 =	spop (v2sf);
	(v2sf) =	vpush v0, $0xA  }
0x21: {  	[tilespmem:s23], [sflag:$0x1] =	stream.linear.gather [hbm4b:s24+s2], $0x400, $0x38;
	[tilespmem:$0x10200] =	vst v63  }
0x22: {  	s25 =	simm.s32 $0xE00;
	s26 =	spop (v2sf);
	(v2sf) =	vpush v0, $0xB  }
0x23: {  	[tilespmem:s25], [sflag:$0x1] =	stream.linear.gather [hbm4b:s26+s2], $0x400, $0x38;
	[tilespmem:$0x10200] =	vst v63  }
0x24: {  	s28 =	simm.s32 $0x1200;
	s29 =	spop (v2sf);
	(v2sf) =	vpush v0, $0xC  }
0x25: {  	[tilespmem:s28], [sflag:$0x1] =	stream.linear.gather [hbm4b:s29+s2], $0x400, $0x38;
	[tilespmem:$0x10200] =	vst v63  }
0x26: {  	s30 =	simm.s32 $0x1600;
	s31 =	spop (v2sf);
	(v2sf) =	vpush v0, $0xD  }
0x27: {  	[tilespmem:s30], [sflag:$0x1] =	stream.linear.gather [hbm4b:s31+s2], $0x400, $0x38;
	[tilespmem:$0x10200] =	vst v63  }
0x28: {  	s13 =	simm.s32 $0x1A00;
	s14 =	spop (v2sf);
	(v2sf) =	vpush v0, $0xE  }
0x29: {  	[tilespmem:s13], [sflag:$0x1] =	stream.linear.gather [hbm4b:s14+s2], $0x400, $0x38;
	[tilespmem:$0x10200] =	vst v63  }
0x2a: {  	s15 =	simm.s32 $0x1E00;
	s16 =	spop (v2sf);
	(v2sf) =	vpush v0, $0xF  }
0x2b: {  	[tilespmem:s15], [sflag:$0x1] =	stream.linear.gather [hbm4b:s16+s2], $0x400, $0x38;
	[tilespmem:$0x10200] =	vst v63  }
0x2c: {  	s18 =	spop (v2sf)  }
0x2d: {  	s17 =	simm.s32 $0x2200;
	s20 =	spop (v2sf)  }
0x2e: {  	[tilespmem:s17], [sflag:$0x1] =	stream.linear.gather [hbm4b:s18+s2], $0x400, $0x38;
	[tilespmem:$0x10200] =	vst v63  }
0x2f: {  	s19 =	simm.s32 $0x2600;
	s22 =	spop (v2sf)  }
0x30: {  	[tilespmem:s19], [sflag:$0x1] =	stream.linear.gather [hbm4b:s20+s2], $0x400, $0x38;
	[tilespmem:$0x10200] =	vst v63  }
0x31: {  	s21 =	simm.s32 $0x2A00;
	s24 =	spop (v2sf)  }
0x32: {  	[tilespmem:s21], [sflag:$0x1] =	stream.linear.gather [hbm4b:s22+s2], $0x400, $0x38;
	[tilespmem:$0x10200] =	vst v63  }
0x33: {  	s23 =	simm.s32 $0x2E00;
	s26 =	spop (v2sf)  }
0x34: {  	[tilespmem:s23], [sflag:$0x1] =	stream.linear.gather [hbm4b:s24+s2], $0x400, $0x38;
	[tilespmem:$0x10200] =	vst v63  }
0x35: {  	s12 =	simm.s32 $0x10000;
	s25 =	simm.s32 $0x3200;
	s29 =	spop (v2sf)  }
0x36: {  	[tilespmem:s25], [sflag:$0x1] =	stream.linear.gather [hbm4b:s26+s2], $0x400, $0x38;
	[tilespmem:$0x10200] =	vst v63  }
0x37: {  	s28 =	simm.s32 $0x3600;
	s30 =	simm.s32 $0x3A00;
	s31 =	spop (v2sf)  }
0x38: {  	[tilespmem:s28], [sflag:$0x1] =	stream.linear.gather [hbm4b:s29+s2], $0x400, $0x38;
	[tilespmem:$0x10200] =	vst v63  }
0x39: {  	s14 =	simm.s32 $0x3E00;
	s13 =	sadd.s32 $0x10, s10;
	s15 =	spop (v2sf)  }
0x3a: {  	[tilespmem:s30], [sflag:$0x1] =	stream.linear.gather [hbm4b:s31+s2], $0x400, $0x38;
	[tilespmem:$0x10200] =	vst v63  }
.LBB2_3:
0x3b: {  	[tilespmem:s14], [sflag:$0x1] =	stream.linear.gather [hbm4b:s15+s2], $0x400, $0x38;
	[tilespmem:$0x10200] =	vst v63  }
0x3c: {  	v0 =	vld [tilespmem:s13+$0x0];
	_ =	sdelay $0x4  }
0x3d: {  	v0 =	vand.u32 $0xFFFFFFF8, v0  }
0x3e: {  	s30 =	rddreg [dreg:$0x3];
	v0 =	vshll.u32 v0, $0x4  }
0x3f: {  	v0 =	vadd.s32 s30, v0  }
0x40: {  	(v2sf) =	vpush v0, $0x0;
	_ =	sdelay $0x1  }
0x41: {  	(v2sf) =	vpush v0, $0x1;
	_ =	sdelay $0x1  }
0x42: {  	(v2sf) =	vpush v0, $0x2;
	_ =	sdelay $0x1  }
0x43: {  	(v2sf) =	vpush v0, $0x3;
	_ =	sdelay $0x1  }
0x44: {  	(v2sf) =	vpush v0, $0x4;
	_ =	sdelay $0x1  }
0x45: {  	(v2sf) =	vpush v0, $0x5;
	_ =	sdelay $0x1  }
0x46: {  	(v2sf) =	vpush v0, $0x6  }
0x47: {  	s29 =	smov.u32 s12  }
0x48: {  	s14 =	sshra.s32 s29, $0x2;
	(v2sf) =	vpush v0, $0x7  }
0x49: {  	s31 =	sadd.s32 $0x200, s14;
	s16 =	spop (v2sf)  }
0x4a: {  	(v2sf) =	vpush v0, $0x8;
	[tilespmem:s31], [sflag:$0x1] =	stream.linear.gather [hbm4b:s16+s2], $0x400, $0x38;
	[tilespmem:$0x10200] =	vst v63  }
0x4b: {  	s17 =	sadd.s32 $0x600, s14;
	s18 =	spop (v2sf)  }
0x4c: {  	(v2sf) =	vpush v0, $0x9;
	[tilespmem:s17], [sflag:$0x1] =	stream.linear.gather [hbm4b:s18+s2], $0x400, $0x38;
	[tilespmem:$0x10200] =	vst v63  }
0x4d: {  	s19 =	sadd.s32 $0xA00, s14;
	s20 =	spop (v2sf)  }
0x4e: {  	(v2sf) =	vpush v0, $0xA;
	[tilespmem:s19], [sflag:$0x1] =	stream.linear.gather [hbm4b:s20+s2], $0x400, $0x38;
	[tilespmem:$0x10200] =	vst v63  }
0x4f: {  	s21 =	sadd.s32 $0xE00, s14;
	s22 =	spop (v2sf)  }
0x50: {  	(v2sf) =	vpush v0, $0xB;
	[tilespmem:s21], [sflag:$0x1] =	stream.linear.gather [hbm4b:s22+s2], $0x400, $0x38;
	[tilespmem:$0x10200] =	vst v63  }
0x51: {  	s23 =	sadd.s32 $0x1200, s14;
	s24 =	spop (v2sf)  }
0x52: {  	(v2sf) =	vpush v0, $0xC;
	[tilespmem:s23], [sflag:$0x1] =	stream.linear.gather [hbm4b:s24+s2], $0x400, $0x38;
	[tilespmem:$0x10200] =	vst v63  }
0x53: {  	s25 =	sadd.s32 $0x1600, s14;
	s26 =	spop (v2sf)  }
0x54: {  	(v2sf) =	vpush v0, $0xD;
	[tilespmem:s25], [sflag:$0x1] =	stream.linear.gather [hbm4b:s26+s2], $0x400, $0x38;
	[tilespmem:$0x10200] =	vst v63  }
0x55: {  	s28 =	sadd.s32 $0x1A00, s14;
	s29 =	spop (v2sf);
	(v2sf) =	vpush v0, $0xE  }
0x56: {  	[tilespmem:s28], [sflag:$0x1] =	stream.linear.gather [hbm4b:s29+s2], $0x400, $0x38;
	[tilespmem:$0x10200] =	vst v63  }
0x57: {  	s30 =	sadd.s32 $0x1E00, s14;
	s31 =	spop (v2sf);
	(v2sf) =	vpush v0, $0xF  }
0x58: {  	[tilespmem:s30], [sflag:$0x1] =	stream.linear.gather [hbm4b:s31+s2], $0x400, $0x38;
	[tilespmem:$0x10200] =	vst v63  }
0x59: {  	s17 =	sadd.s32 $0x2200, s14;
	s18 =	spop (v2sf)  }
0x5a: {  	[tilespmem:s17], [sflag:$0x1] =	stream.linear.gather [hbm4b:s18+s2], $0x400, $0x38;
	[tilespmem:$0x10200] =	vst v63  }
0x5b: {  	s19 =	sadd.s32 $0x2600, s14;
	s20 =	spop (v2sf)  }
0x5c: {  	[tilespmem:s19], [sflag:$0x1] =	stream.linear.gather [hbm4b:s20+s2], $0x400, $0x38;
	[tilespmem:$0x10200] =	vst v63  }
0x5d: {  	s21 =	sadd.s32 $0x2A00, s14;
	s22 =	spop (v2sf)  }
0x5e: {  	[tilespmem:s21], [sflag:$0x1] =	stream.linear.gather [hbm4b:s22+s2], $0x400, $0x38;
	[tilespmem:$0x10200] =	vst v63  }
0x5f: {  	s23 =	sadd.s32 $0x2E00, s14;
	s24 =	spop (v2sf)  }
0x60: {  	[tilespmem:s23], [sflag:$0x1] =	stream.linear.gather [hbm4b:s24+s2], $0x400, $0x38;
	[tilespmem:$0x10200] =	vst v63  }
0x61: {  	p0 =	sne.s32 s12, $0x30000;
	s25 =	sadd.s32 $0x3200, s14;
	s26 =	spop (v2sf)  }
0x62: {  	[tilespmem:s25], [sflag:$0x1] =	stream.linear.gather [hbm4b:s26+s2], $0x400, $0x38;
	[tilespmem:$0x10200] =	vst v63  }
.Ltmp0:
0x63: {  	s12 =	sadd.s32 $0x10000, s12;
	s29 =	spop (v2sf);
	(pc) =	sbr.rel @p0 .LBB2_3-.Ltmp0, $4  }
0x64: {  	s13 =	sadd.s32 $0x10, s13;
	s28 =	sadd.s32 $0x3600, s14;
	s31 =	spop (v2sf)  }
0x65: {  	[tilespmem:s28], [sflag:$0x1] =	stream.linear.gather [hbm4b:s29+s2], $0x400, $0x38;
	[tilespmem:$0x10200] =	vst v63  }
0x66: {  	s30 =	sadd.s32 $0x3A00, s14;
	s14 =	sadd.s32 $0x3E00, s14;
	s15 =	spop (v2sf)  }
0x67: {  	[tilespmem:s30], [sflag:$0x1] =	stream.linear.gather [hbm4b:s31+s2], $0x400, $0x38;
	[tilespmem:$0x10200] =	vst v63  }
0x68: {  	[tilespmem:s14], [sflag:$0x1] =	stream.linear.gather [hbm4b:s15+s2], $0x400, $0x38;
	[tilespmem:$0x10200] =	vst v63  }
0x69: {  	s12 =	sshll.u32 s11, $0xD;
	s11 =	sadd.s32 $0x1, s11;
	_ =	swait.ge [sflag:s7], $0x10000  }
0x6a: {  	p0 =	sne.s32 s11, $0x8;
	[sflag:s7] =	ssyncset.done $0x0  }
.Ltmp1:
0x6b: {  	s12 =	sadd.s32 s12, s4;
	[sflag:s7] =	ssyncadd.s32 $0xFFFF0000;
	(pc) =	sbr.rel @p0 .LBB2_2-.Ltmp1, $4  }
0x6c: {  	[hbm4b:s12+s2] =	stream.linear.scatter [tilespmem:s8], [sflag:$0x2], $0x10000, $0x38;
	[tilespmem:$0x10200] =	vst v63  }
0x6d: {  	_ =	swait.ge [sflag:s6], $0x10000  }
0x6e: {  	[sflag:s6] =	ssyncset.done $0x0  }
0x6f: {  	s10 =	sadd.s32 $0x40, s10;
	[sflag:s6] =	ssyncadd.s32 $0xFFFF0000  }
0x70: {  	s9 =	sadd.s32 $0x1, s9  }
0x71: {  	p0 =	sne.s32 s9, s5  }
.Ltmp2:
0x72: {  	_ = 	snop;
	(pc) =	sbr.rel @p0 .LBB2_1-.Ltmp2, $1  }
0x73: {  	_ =	sdelay $0x3  }
0x74: {  	_ =	sfence.sel $0x180000  }
0x75: {  	[bflag:$0x0] =	sbarrier.arrive $0xFFFF  }
0x76: {  	p0 =	sne.s32 s1, $0x0;
	_ =	strace $0x90000047  }
0x77: {  	s0 =	sadd.s32 @!p0 $0x100000, s0;
	[bflag:$0x2] =	sbarrier.arrive $0xFFFF  }
0x78: {  	[sflag:s0] =	ssyncadd.tile.s32 @!p0 $0x1;
	_ =	shalt  }
.Lfunc_end2:
_tile_overlayer_lowered:
.L_overlay_start_2:
0x79: {  	(tag) =	ssettag $0x2  }
0x7a: {  	s0 =	rddreg [dreg:$0x0];
	s2 =	stileid.u32  }
0x7b: {  	s1 =	rddreg [dreg:$0x1];
	p0 =	sne.s32 s2, $0x0  }
0x7c: {  	s3 =	rddreg [dreg:$0x2];
	[bflag:$0x3] =	sbarrier.arrive $0xFFFF;
	s2 =	simm.s32 @!p0 $0x1C02  }
0x7d: {  	[timem:s3], [sflag:s2] =	dma.local @!p0 [hbm:s0], s1  }
0x7e: {  	s0 =	simm.s32 @!p0 $0x2  }
0x7f: {  	_ =	swait.ge @!p0 [sflag:s0], s1  }
0x80: {  	s1 =	ssub.s32 @!p0 $0x0, s1;
	[sflag:s0] =	ssyncset.done @!p0 $0x0  }
0x81: {  	[sflag:s0] =	ssyncadd.s32 @!p0 s1  }
0x82: {  	[bflag:$0x3] =	sbarrier.arrive $0xFFFF  }
0x83: {  	_ =	shalt  }

</sc_bundles>
